<compile_context>
chip_gen: v7x
topology: tpu7x:2x2x1
jax: 0.10.2.dev20260603
libtpu: 0.0.44.dev20260713+nightly
codegen_flags: <defaults>
</compile_context>

<pallas_src>
import functools

import jax
import jax.numpy as jnp
from jax import lax
from jax.experimental import pallas as pl
from jax.experimental.pallas import tpu as pltpu
from jax.experimental.pallas import tpu_sc as plsc

_B = 4
_N = 8192
_STAGES = [(1024, 0.1, 32), (512, 0.2, 32), (256, 0.4, 16)]
_BN_INV = 1.0 / (1.0 + 1e-5) ** 0.5


def _fps_kernel(x_ref, o_ref, *, npoint, n, b):
    x = x_ref[0, :, :]
    y = x_ref[1, :, :]
    z = x_ref[2, :, :]
    iota = lax.broadcasted_iota(jnp.int32, (b, n), 1)
    lx = x[:, 0:1]
    ly = y[:, 0:1]
    lz = z[:, 0:1]
    o_ref[0, :, :] = jnp.concatenate([lx, ly, lz], axis=1)
    dists = jnp.full((b, n), 1e10, dtype=jnp.float32)

    def body(i, carry):
        dists, lx, ly, lz = carry
        d = ((x - lx) ** 2 + (y - ly) ** 2) + (z - lz) ** 2
        dists = jnp.minimum(dists, d)
        nxt = jnp.argmax(dists, axis=1, keepdims=True).astype(jnp.int32)
        pick = iota == nxt
        lx = jnp.sum(jnp.where(pick, x, 0.0), axis=1, keepdims=True)
        ly = jnp.sum(jnp.where(pick, y, 0.0), axis=1, keepdims=True)
        lz = jnp.sum(jnp.where(pick, z, 0.0), axis=1, keepdims=True)
        o_ref[pl.ds(i, 1), :, :] = jnp.concatenate([lx, ly, lz], axis=1)[None]
        return dists, lx, ly, lz

    lax.fori_loop(1, npoint, body, (dists, lx, ly, lz))


def _fps_call(xyz_t, npoint):
    _, b, n = xyz_t.shape
    return pl.pallas_call(
        functools.partial(_fps_kernel, npoint=npoint, n=n, b=b),
        out_shape=jax.ShapeDtypeStruct((npoint, b, 3), jnp.float32),
    )(xyz_t)


def _bq_kernel(x_ref, c_ref, o_ref, *, n, k, r2, sb):
    x = x_ref[0, 0:1, :]
    y = x_ref[0, 1:2, :]
    z = x_ref[0, 2:3, :]
    cx = c_ref[0, :, 0:1]
    cy = c_ref[0, :, 1:2]
    cz = c_ref[0, :, 2:3]
    d2 = ((cx - x) ** 2 + (cy - y) ** 2) + (cz - z) ** 2
    iota = lax.broadcasted_iota(jnp.int32, (sb, n), 1)
    scores = jnp.where(d2 <= r2, iota, n)

    def cond(st):
        j, _, _, more = st
        return jnp.logical_and(j < k, more)

    kiota = lax.broadcasted_iota(jnp.int32, (sb, k), 1)

    def body(st):
        j, scores, out, _ = st
        m = jnp.min(scores, axis=1, keepdims=True)
        out = jnp.where(kiota == j, m, out)
        scores = jnp.where(scores == m, n, scores)
        return j + 1, scores, out, jnp.min(m) < n

    init = (jnp.int32(0), scores,
            jnp.full((sb, k), n, dtype=jnp.int32), True)
    _, _, idx, _ = lax.while_loop(cond, body, init)
    first = idx[:, 0:1]
    first = jnp.where(first < n, first, 0)
    idx = jnp.where(idx < n, idx, first)
    bi = pl.program_id(0)
    o_ref[0, :, :] = idx + bi * n


def _bq_call(xyz_t, centers, radius, k, sb):
    b, _, n = xyz_t.shape
    s = centers.shape[1]
    r2 = float(radius * radius)
    return pl.pallas_call(
        functools.partial(_bq_kernel, n=n, k=k, r2=r2, sb=sb),
        grid=(b, s // sb),
        in_specs=[
            pl.BlockSpec((1, 3, n), lambda bi, j: (bi, 0, 0)),
            pl.BlockSpec((1, sb, 3), lambda bi, j: (bi, j, 0)),
        ],
        out_specs=pl.BlockSpec((1, sb, k), lambda bi, j: (bi, j, 0)),
        out_shape=jax.ShapeDtypeStruct((b, s, k), jnp.int32),
    )(xyz_t, centers)


def _mlp_kernel(g_ref, c_ref, *refs, k, cfeat, sb, nlayers):
    o_ref = refs[-1]
    wrefs = refs[:-1]
    gx = g_ref[:, 0:3]
    c = c_ref[:, :]
    xyz = gx.reshape(sb, k, 3) - c[:, None, :]
    x = xyz.reshape(sb * k, 3)
    if cfeat:
        x = jnp.concatenate([x, g_ref[:, 3:3 + cfeat]], axis=1)
    for li in range(nlayers):
        w = wrefs[2 * li][:, :]
        bb = wrefs[2 * li + 1][:, :]
        x = jnp.maximum(
            jnp.dot(x, w, preferred_element_type=jnp.float32) + bb, 0.0)
    cout = x.shape[1]
    o_ref[:, :] = jnp.max(x.reshape(sb, k, cout), axis=1)


def _mlp_call(gathered, centers_rows, layers, k, cfeat, sb):
    rows, d = gathered.shape
    bs = rows // k
    cout = layers[-1][0].shape[1]
    nlayers = len(layers)
    wargs = []
    in_specs = [
        pl.BlockSpec((sb * k, d), lambda g: (g, 0)),
        pl.BlockSpec((sb, 3), lambda g: (g, 0)),
    ]
    for wt, b2 in layers:
        wargs += [wt, b2]
        in_specs += [
            pl.BlockSpec(wt.shape, lambda g: (0, 0)),
            pl.BlockSpec(b2.shape, lambda g: (0, 0)),
        ]
    return pl.pallas_call(
        functools.partial(_mlp_kernel, k=k, cfeat=cfeat, sb=sb,
                          nlayers=nlayers),
        grid=(bs // sb,),
        in_specs=in_specs,
        out_specs=pl.BlockSpec((sb, cout), lambda g: (g, 0)),
        out_shape=jax.ShapeDtypeStruct((bs, cout), jnp.float32),
    )(gathered, centers_rows, *wargs)


_SC_CHUNK = 128


def _sc_gather_body(table_hbm, idx_hbm, out_hbm, idx_v, rows_v, sem, *,
                    m_per, nc):
    wid = lax.axis_index("s") * nc + lax.axis_index("c")
    base = pl.multiple_of(wid * m_per, 8)
    pltpu.sync_copy(idx_hbm.at[pl.ds(base, m_per)], idx_v)
    nch = m_per // _SC_CHUNK

    def _copy(i):
        off = pl.multiple_of(i * _SC_CHUNK, 8)
        return pltpu.make_async_copy(
            table_hbm.at[idx_v.at[pl.ds(off, _SC_CHUNK)]],
            rows_v.at[pl.ds(off, _SC_CHUNK)], sem)

    _copy(0).start()

    def body(i, _):
        _copy(i + 1).start()
        _copy(i).wait()
        return 0

    lax.fori_loop(0, nch - 1, body, 0)
    _copy(nch - 1).wait()
    pltpu.sync_copy(rows_v, out_hbm.at[pl.ds(base, m_per)])


def _gather_rows(table, idx_flat):
    m = idx_flat.shape[0]
    d = table.shape[1]
    info = plsc.get_sparse_core_info()
    nw = info.num_cores * info.num_subcores
    m_per = m // nw
    mesh = plsc.VectorSubcoreMesh(core_axis_name="c", subcore_axis_name="s")
    f = pl.kernel(
        functools.partial(_sc_gather_body, m_per=m_per, nc=info.num_cores),
        mesh=mesh,
        out_type=jax.ShapeDtypeStruct((m, d), jnp.float32),
        scratch_types=[
            pltpu.VMEM((m_per,), jnp.int32),
            pltpu.VMEM((m_per, d), jnp.float32),
            pltpu.SemaphoreType.DMA,
        ],
        compiler_params=pltpu.CompilerParams(use_tc_tiling_on_sc=False),
    )
    return f(table, idx_flat)


_SB_BQ = [256, 512, 256]
_SB_MLP = [512, 512, 256]
_PAD_D = [16, 48, 80]


def kernel(clouds, params):
    b = clouds.shape[0]
    xyz = clouds[..., 0:3]

    xyzs, idxs = [], []
    cur = xyz
    for si, (npoint, radius, nsample) in enumerate(_STAGES):
        xyz_t = jnp.transpose(cur, (2, 0, 1))
        cent = _fps_call(xyz_t, npoint)
        new_xyz = jnp.transpose(cent, (1, 0, 2))
        idx = _bq_call(jnp.transpose(cur, (0, 2, 1)), new_xyz, radius,
                       nsample, _SB_BQ[si])
        xyzs.append(cur)
        idxs.append(idx)
        cur = new_xyz

    feats = None
    for si, ((npoint, radius, nsample), stage_p) in enumerate(
            zip(_STAGES, params)):
        xyz_s = xyzs[si]
        n = xyz_s.shape[1]
        cfeat = 0 if feats is None else feats.shape[-1]
        base = xyz_s if feats is None else jnp.concatenate([xyz_s, feats], -1)
        d = _PAD_D[si]
        table = jnp.pad(base, ((0, 0), (0, 0), (0, d - 3 - cfeat)))
        table = table.reshape(b * n, d)
        gathered = _gather_rows(table, idxs[si].reshape(-1))
        layers = []
        for lp in stage_p:
            s = lp["gamma"] * _BN_INV
            wt2 = (lp["W"] * s[:, None]).T
            b2 = (lp["b"] * s + lp["beta"])[None, :]
            layers.append((wt2, b2))
        new_xyz = xyzs[si + 1] if si + 1 < len(xyzs) else cur
        fr = _mlp_call(gathered, new_xyz.reshape(b * npoint, 3), layers,
                       nsample, cfeat, _SB_MLP[si])
        feats = fr.reshape(b, npoint, fr.shape[-1])
    return jnp.transpose(feats, (0, 2, 1))

# --- scband reference (transcript-rebuilt; emitter-appended) ---
"""Pipeline reference for scband-point-net-simple-67748814127145 (READ-ONLY COPY).

The authoritative reference and input builder live on the scoring server;
editing this copy changes nothing except your own understanding.
"""

import jax, jax.numpy as jnp
import numpy as np

B, N = 4, 8192
STAGES = [
    dict(npoint=1024, radius=0.1, nsample=32),
    dict(npoint=512, radius=0.2, nsample=32),
    dict(npoint=256, radius=0.4, nsample=16),
]
# mlp specs after the PointnetSAModule use_xyz (+3) adjustment:
# sa1: [0+3,32,32], sa2: [32+3,64,64], sa3: [64+3,64,64,128]
CHANNELS = [[3, 32, 32], [35, 64, 64], [67, 64, 64, 128]]


def _make_layer(k, cin, cout):
    k1, k2, k3, k4 = jax.random.split(k, 4)
    return {
        "W": jax.random.normal(k1, (cout, cin), dtype=jnp.float32) / np.sqrt(cin),
        "b": 0.01 * jax.random.normal(k2, (cout,), dtype=jnp.float32),
        "gamma": 1.0 + 0.1 * jax.random.normal(k3, (cout,), dtype=jnp.float32),
        "beta": 0.1 * jax.random.normal(k4, (cout,), dtype=jnp.float32),
    }


def setup_inputs(seed: int = 0) -> dict:
    key = jax.random.key(seed)
    kc, kp = jax.random.split(key)
    clouds = jax.random.normal(kc, (B, N, 3), dtype=jnp.float32)
    params = []
    for chs in CHANNELS:
        stage = []
        for li in range(len(chs) - 1):
            kp, kl = jax.random.split(kp)
            stage.append(_make_layer(kl, chs[li], chs[li + 1]))
        params.append(stage)
    return {"clouds": clouds, "params": params}


def _fps(xyz, npoint):
    # farthest point sampling; indices are non-differentiable
    xyz = jax.lax.stop_gradient(xyz)
    b, n, _ = xyz.shape

    def body(i, state):
        dists, idxs, last = state
        last_xyz = xyz[jnp.arange(b), last]  # (b,3)
        d = jnp.sum((xyz - last_xyz[:, None, :]) ** 2, axis=-1)  # (b,n)
        dists = jnp.minimum(dists, d)
        nxt = jnp.argmax(dists, axis=-1).astype(jnp.int32)
        idxs = idxs.at[:, i].set(nxt)
        return (dists, idxs, nxt)

    init = (jnp.full((b, n), 1e10, dtype=jnp.float32),
            jnp.zeros((b, npoint), dtype=jnp.int32),
            jnp.zeros((b,), dtype=jnp.int32))
    _, idxs, _ = jax.lax.fori_loop(1, npoint, body, init)
    return idxs


def _ball_query(radius, nsample, xyz, new_xyz):
    # CUDA ball_query semantics: first nsample points (in index order) within
    # radius; remaining slots filled with the first found index (0 if none).
    n = xyz.shape[1]
    d2 = jnp.sum((new_xyz[:, :, None, :] - xyz[:, None, :, :]) ** 2, axis=-1)  # (B,S,N)
    scores = jnp.where(d2 <= radius * radius, jnp.arange(n, dtype=jnp.int32)[None, None, :], n)
    neg, _ = jax.lax.top_k(-scores, nsample)
    sorted_idx = -neg  # ascending: smallest valid indices first
    first = sorted_idx[..., :1]
    first = jnp.where(first < n, first, 0)
    idx = jnp.where(sorted_idx < n, sorted_idx, first)
    return idx


def _group(xyz, features, new_xyz, idx, use_xyz=True):
    gxyz = jax.vmap(lambda a, i: a[i])(xyz, idx)  # (B,S,K,3)
    gxyz = gxyz - new_xyz[:, :, None, :]  # center
    g = jnp.transpose(gxyz, (0, 3, 1, 2))  # (B,3,S,K)
    if features is None:
        return g
    gf = jax.vmap(lambda f, i: f[:, i])(features, idx)  # (B,C,S,K)
    return jnp.concatenate([g, gf], axis=1) if use_xyz else gf


def _mlp(x, layers):
    # SharedMLP: 1x1 Conv2d + BatchNorm2d (eval mode, running mean=0, var=1) + ReLU
    inv = 1.0 / np.sqrt(1.0 + 1e-5)
    for L in layers:
        x = jnp.einsum('oc,bcsk->bosk', L['W'], x) + L['b'][None, :, None, None]
        x = L['gamma'][None, :, None, None] * (x * inv) + L['beta'][None, :, None, None]
        x = jax.nn.relu(x)
    return x


def _sa(xyz, features, layers, npoint, radius, nsample):
    fidx = _fps(xyz, npoint)
    new_xyz = jax.vmap(lambda a, i: a[i])(xyz, fidx)  # (B,npoint,3)
    idx = _ball_query(radius, nsample, xyz, new_xyz)
    nf = _group(xyz, features, new_xyz, idx, use_xyz=True)
    nf = _mlp(nf, layers)
    nf = jnp.max(nf, axis=-1)  # (B,C,npoint)
    return new_xyz, nf


def reference(clouds, params):
    xyz = clouds[..., 0:3]
    features = None  # input_feature_dim=0
    for st, pl in zip(STAGES, params):
        xyz, features = _sa(xyz, features, pl, st['npoint'], st['radius'], st['nsample'])
    return features  # (B, 128, 256)

if __name__ == "__main__":
    import jax
    _d = setup_inputs()
    print(jax.jit(kernel)(*tuple(_d.values())))

</pallas_src>

<mosaic_0001>
#map = affine_map<(d0, d1) -> (0, 0)>
#map1 = affine_map<(d0, d1) -> (0)>
module attributes {stable_mosaic.version = 14 : i64} {
  func.func @_sc_gather_body(%arg0: i32, %arg1: i32, %arg2: memref<32768x16xf32, #tpu.memory_space<hbm>>, %arg3: memref<131072xi32, #tpu.memory_space<hbm>>, %arg4: memref<131072x16xf32, #tpu.memory_space<hbm>>, %arg5: memref<4096xi32, #tpu.memory_space<vmem>>, %arg6: memref<4096x16xf32, #tpu.memory_space<vmem>>, %arg7: memref<!tpu.dma_semaphore, #tpu.memory_space<semaphore_mem>>) attributes {dimension_semantics = [#tpu.dimension_semantics<core_parallel>, #tpu.dimension_semantics<subcore_parallel>], iteration_bounds = array<i64: 2, 16>, scalar_prefetch = 0 : i64, scratch_operands = 3 : i64, tpu.core_type = #tpu.core_type<sc_vector_subcore>, window_params = [{transform_indices = #map}, {transform_indices = #map1}, {transform_indices = #map}]} {
    %mul3A = arith.constant 2 : i32
    %mul3A_0 = arith.muli %arg1, %mul3A : i32
    %add3A = arith.addi %mul3A_0, %arg0 : i32
    %mul3A_1 = arith.constant 4096 : i32
    %mul3A_2 = arith.muli %add3A, %mul3A_1 : i32
    %multiple_of3A = tpu.assume_multiple %mul3A_2, 8 : i32
    "tpu.region"() ({
      %run_scoped3A = tpu.sem_alloc : memref<!tpu.dma_semaphore, #tpu.memory_space<semaphore_mem>>
      %dma_start3A_23 = tpu.memref_slice %arg3[%multiple_of3A] : memref<131072xi32, #tpu.memory_space<hbm>> -> memref<4096xi32, #tpu.memory_space<hbm>>
      %dma_start3A_24 = tpu.memref_slice %arg3[%multiple_of3A] : memref<131072xi32, #tpu.memory_space<hbm>> -> memref<4096xi32, #tpu.memory_space<hbm>>
      tpu.enqueue_dma source(%dma_start3A_24 : memref<4096xi32, #tpu.memory_space<hbm>>) target(%arg5 : memref<4096xi32, #tpu.memory_space<vmem>>) target_semaphore(%run_scoped3A : memref<!tpu.dma_semaphore, #tpu.memory_space<semaphore_mem>>)
      %dma_wait3A_25 = tpu.memref_slice %arg3[%multiple_of3A] : memref<131072xi32, #tpu.memory_space<hbm>> -> memref<4096xi32, #tpu.memory_space<hbm>>
      %dma_wait3A_26 = tpu.memref_slice %arg3[%multiple_of3A] : memref<131072xi32, #tpu.memory_space<hbm>> -> memref<4096xi32, #tpu.memory_space<hbm>>
      tpu.wait_dma2 semaphore(%run_scoped3A : memref<!tpu.dma_semaphore, #tpu.memory_space<semaphore_mem>>) src(%dma_wait3A_26 : memref<4096xi32, #tpu.memory_space<hbm>>) dst(%arg5 : memref<4096xi32, #tpu.memory_space<vmem>>)
      tpu.yield
    }) : () -> ()
    %multiple_of3A_3 = arith.constant 0 : i32
    %multiple_of3A_4 = tpu.assume_multiple %multiple_of3A_3, 8 : i32
    %dma_start3A = arith.constant 0 : i32
    %dma_start3A_5 = tpu.memref_slice %arg6[%multiple_of3A_4, %dma_start3A] : memref<4096x16xf32, #tpu.memory_space<vmem>> -> memref<128x16xf32, #tpu.memory_space<vmem>>
    %dma_start3A_6 = tpu.memref_slice %arg5[%multiple_of3A_4] : memref<4096xi32, #tpu.memory_space<vmem>> -> memref<128xi32, #tpu.memory_space<vmem>>
    %dma_start3A_7 = arith.constant 0 : i32
    %dma_start3A_8 = arith.constant 0 : i32
    %dma_start3A_9 = tpu.memref_slice %arg2[%dma_start3A_7, %dma_start3A_8] : memref<32768x16xf32, #tpu.memory_space<hbm>> -> memref<32768x16xf32, #tpu.memory_space<hbm>>
    tpu.enqueue_indirect_dma source(%dma_start3A_9 : memref<32768x16xf32, #tpu.memory_space<hbm>>) target(%dma_start3A_5 : memref<128x16xf32, #tpu.memory_space<vmem>>) offsets(%dma_start3A_6 : memref<128xi32, #tpu.memory_space<vmem>>) semaphore(%arg7 : memref<!tpu.dma_semaphore, #tpu.memory_space<semaphore_mem>>)
    %scan3A = arith.constant 0 : i32
    %scan3A_10 = arith.constant 0 : i32
    %scan3A_11 = arith.constant 31 : i32
    %scan3A_12 = arith.addi %scan3A_10, %scan3A_11 : i32
    %scan3A_13 = arith.constant 1 : i32
    %scan3A_14 = scf.for %scan3A_23 = %scan3A_10 to %scan3A_12 step %scan3A_13 iter_args(%scan3A_24 = %scan3A) -> (i32)  : i32 {
      %add3A_25 = arith.constant 1 : i32
      %add3A_26 = arith.addi %scan3A_23, %add3A_25 : i32
      %mul3A_27 = arith.constant 128 : i32
      %mul3A_28 = arith.muli %add3A_26, %mul3A_27 : i32
      %multiple_of3A_29 = tpu.assume_multiple %mul3A_28, 8 : i32
      %dma_start3A_30 = arith.constant 0 : i32
      %dma_start3A_31 = tpu.memref_slice %arg6[%multiple_of3A_29, %dma_start3A_30] : memref<4096x16xf32, #tpu.memory_space<vmem>> -> memref<128x16xf32, #tpu.memory_space<vmem>>
      %dma_start3A_32 = tpu.memref_slice %arg5[%multiple_of3A_29] : memref<4096xi32, #tpu.memory_space<vmem>> -> memref<128xi32, #tpu.memory_space<vmem>>
      %dma_start3A_33 = arith.constant 0 : i32
      %dma_start3A_34 = arith.constant 0 : i32
      %dma_start3A_35 = tpu.memref_slice %arg2[%dma_start3A_33, %dma_start3A_34] : memref<32768x16xf32, #tpu.memory_space<hbm>> -> memref<32768x16xf32, #tpu.memory_space<hbm>>
      tpu.enqueue_indirect_dma source(%dma_start3A_35 : memref<32768x16xf32, #tpu.memory_space<hbm>>) target(%dma_start3A_31 : memref<128x16xf32, #tpu.memory_space<vmem>>) offsets(%dma_start3A_32 : memref<128xi32, #tpu.memory_space<vmem>>) semaphore(%arg7 : memref<!tpu.dma_semaphore, #tpu.memory_space<semaphore_mem>>)
      %mul3A_36 = arith.constant 128 : i32
      %mul3A_37 = arith.muli %scan3A_23, %mul3A_36 : i32
      %multiple_of3A_38 = tpu.assume_multiple %mul3A_37, 8 : i32
      %dma_wait3A_39 = arith.constant 0 : i32
      %dma_wait3A_40 = tpu.memref_slice %arg6[%multiple_of3A_38, %dma_wait3A_39] : memref<4096x16xf32, #tpu.memory_space<vmem>> -> memref<128x16xf32, #tpu.memory_space<vmem>>
      %dma_wait3A_41 = tpu.memref_slice %arg5[%multiple_of3A_38] : memref<4096xi32, #tpu.memory_space<vmem>> -> memref<128xi32, #tpu.memory_space<vmem>>
      %dma_wait3A_42 = arith.constant 0 : i32
      %dma_wait3A_43 = arith.constant 0 : i32
      %dma_wait3A_44 = tpu.memref_slice %arg2[%dma_wait3A_42, %dma_wait3A_43] : memref<32768x16xf32, #tpu.memory_space<hbm>> -> memref<32768x16xf32, #tpu.memory_space<hbm>>
      tpu.wait_indirect_dma semaphore(%arg7 : memref<!tpu.dma_semaphore, #tpu.memory_space<semaphore_mem>>) src(%dma_wait3A_44 : memref<32768x16xf32, #tpu.memory_space<hbm>>) dst(%dma_wait3A_40 : memref<128x16xf32, #tpu.memory_space<vmem>>)
      %scan3A_45 = arith.constant 0 : i32
      scf.yield %scan3A_45 : i32
    }
    %scan3A_15 = arith.constant 31 : i32
    %multiple_of3A_16 = arith.constant 3968 : i32
    %multiple_of3A_17 = tpu.assume_multiple %multiple_of3A_16, 8 : i32
    %dma_wait3A = arith.constant 0 : i32
    %dma_wait3A_18 = tpu.memref_slice %arg6[%multiple_of3A_17, %dma_wait3A] : memref<4096x16xf32, #tpu.memory_space<vmem>> -> memref<128x16xf32, #tpu.memory_space<vmem>>
    %dma_wait3A_19 = tpu.memref_slice %arg5[%multiple_of3A_17] : memref<4096xi32, #tpu.memory_space<vmem>> -> memref<128xi32, #tpu.memory_space<vmem>>
    %dma_wait3A_20 = arith.constant 0 : i32
    %dma_wait3A_21 = arith.constant 0 : i32
    %dma_wait3A_22 = tpu.memref_slice %arg2[%dma_wait3A_20, %dma_wait3A_21] : memref<32768x16xf32, #tpu.memory_space<hbm>> -> memref<32768x16xf32, #tpu.memory_space<hbm>>
    tpu.wait_indirect_dma semaphore(%arg7 : memref<!tpu.dma_semaphore, #tpu.memory_space<semaphore_mem>>) src(%dma_wait3A_22 : memref<32768x16xf32, #tpu.memory_space<hbm>>) dst(%dma_wait3A_18 : memref<128x16xf32, #tpu.memory_space<vmem>>)
    "tpu.region"() ({
      %run_scoped3A = tpu.sem_alloc : memref<!tpu.dma_semaphore, #tpu.memory_space<semaphore_mem>>
      %dma_start3A_23 = arith.constant 0 : i32
      %dma_start3A_24 = tpu.memref_slice %arg4[%multiple_of3A, %dma_start3A_23] : memref<131072x16xf32, #tpu.memory_space<hbm>> -> memref<4096x16xf32, #tpu.memory_space<hbm>>
      %dma_start3A_25 = arith.constant 0 : i32
      %dma_start3A_26 = tpu.memref_slice %arg4[%multiple_of3A, %dma_start3A_25] : memref<131072x16xf32, #tpu.memory_space<hbm>> -> memref<4096x16xf32, #tpu.memory_space<hbm>>
      tpu.enqueue_dma source(%arg6 : memref<4096x16xf32, #tpu.memory_space<vmem>>) target(%dma_start3A_26 : memref<4096x16xf32, #tpu.memory_space<hbm>>) target_semaphore(%run_scoped3A : memref<!tpu.dma_semaphore, #tpu.memory_space<semaphore_mem>>)
      %dma_wait3A_27 = arith.constant 0 : i32
      %dma_wait3A_28 = tpu.memref_slice %arg4[%multiple_of3A, %dma_wait3A_27] : memref<131072x16xf32, #tpu.memory_space<hbm>> -> memref<4096x16xf32, #tpu.memory_space<hbm>>
      %dma_wait3A_29 = arith.constant 0 : i32
      %dma_wait3A_30 = tpu.memref_slice %arg4[%multiple_of3A, %dma_wait3A_29] : memref<131072x16xf32, #tpu.memory_space<hbm>> -> memref<4096x16xf32, #tpu.memory_space<hbm>>
      tpu.wait_dma2 semaphore(%run_scoped3A : memref<!tpu.dma_semaphore, #tpu.memory_space<semaphore_mem>>) src(%arg6 : memref<4096x16xf32, #tpu.memory_space<vmem>>) dst(%dma_wait3A_30 : memref<4096x16xf32, #tpu.memory_space<hbm>>)
      tpu.yield
    }) : () -> ()
    return
  }
}

#map = affine_map<(d0, d1) -> (0, 0)>
#map1 = affine_map<(d0, d1) -> (0)>
module attributes {stable_mosaic.version = 14 : i64} {
  func.func @_sc_gather_body(%arg0: i32, %arg1: i32, %arg2: memref<4096x48xf32, #tpu.memory_space<hbm>>, %arg3: memref<65536xi32, #tpu.memory_space<hbm>>, %arg4: memref<65536x48xf32, #tpu.memory_space<hbm>>, %arg5: memref<2048xi32, #tpu.memory_space<vmem>>, %arg6: memref<2048x48xf32, #tpu.memory_space<vmem>>, %arg7: memref<!tpu.dma_semaphore, #tpu.memory_space<semaphore_mem>>) attributes {dimension_semantics = [#tpu.dimension_semantics<core_parallel>, #tpu.dimension_semantics<subcore_parallel>], iteration_bounds = array<i64: 2, 16>, scalar_prefetch = 0 : i64, scratch_operands = 3 : i64, tpu.core_type = #tpu.core_type<sc_vector_subcore>, window_params = [{transform_indices = #map}, {transform_indices = #map1}, {transform_indices = #map}]} {
    %mul3A = arith.constant 2 : i32
    %mul3A_0 = arith.muli %arg1, %mul3A : i32
    %add3A = arith.addi %mul3A_0, %arg0 : i32
    %mul3A_1 = arith.constant 2048 : i32
    %mul3A_2 = arith.muli %add3A, %mul3A_1 : i32
    %multiple_of3A = tpu.assume_multiple %mul3A_2, 8 : i32
    "tpu.region"() ({
      %run_scoped3A = tpu.sem_alloc : memref<!tpu.dma_semaphore, #tpu.memory_space<semaphore_mem>>
      %dma_start3A_23 = tpu.memref_slice %arg3[%multiple_of3A] : memref<65536xi32, #tpu.memory_space<hbm>> -> memref<2048xi32, #tpu.memory_space<hbm>>
      %dma_start3A_24 = tpu.memref_slice %arg3[%multiple_of3A] : memref<65536xi32, #tpu.memory_space<hbm>> -> memref<2048xi32, #tpu.memory_space<hbm>>
      tpu.enqueue_dma source(%dma_start3A_24 : memref<2048xi32, #tpu.memory_space<hbm>>) target(%arg5 : memref<2048xi32, #tpu.memory_space<vmem>>) target_semaphore(%run_scoped3A : memref<!tpu.dma_semaphore, #tpu.memory_space<semaphore_mem>>)
      %dma_wait3A_25 = tpu.memref_slice %arg3[%multiple_of3A] : memref<65536xi32, #tpu.memory_space<hbm>> -> memref<2048xi32, #tpu.memory_space<hbm>>
      %dma_wait3A_26 = tpu.memref_slice %arg3[%multiple_of3A] : memref<65536xi32, #tpu.memory_space<hbm>> -> memref<2048xi32, #tpu.memory_space<hbm>>
      tpu.wait_dma2 semaphore(%run_scoped3A : memref<!tpu.dma_semaphore, #tpu.memory_space<semaphore_mem>>) src(%dma_wait3A_26 : memref<2048xi32, #tpu.memory_space<hbm>>) dst(%arg5 : memref<2048xi32, #tpu.memory_space<vmem>>)
      tpu.yield
    }) : () -> ()
    %multiple_of3A_3 = arith.constant 0 : i32
    %multiple_of3A_4 = tpu.assume_multiple %multiple_of3A_3, 8 : i32
    %dma_start3A = arith.constant 0 : i32
    %dma_start3A_5 = tpu.memref_slice %arg6[%multiple_of3A_4, %dma_start3A] : memref<2048x48xf32, #tpu.memory_space<vmem>> -> memref<128x48xf32, #tpu.memory_space<vmem>>
    %dma_start3A_6 = tpu.memref_slice %arg5[%multiple_of3A_4] : memref<2048xi32, #tpu.memory_space<vmem>> -> memref<128xi32, #tpu.memory_space<vmem>>
    %dma_start3A_7 = arith.constant 0 : i32
    %dma_start3A_8 = arith.constant 0 : i32
    %dma_start3A_9 = tpu.memref_slice %arg2[%dma_start3A_7, %dma_start3A_8] : memref<4096x48xf32, #tpu.memory_space<hbm>> -> memref<4096x48xf32, #tpu.memory_space<hbm>>
    tpu.enqueue_indirect_dma source(%dma_start3A_9 : memref<4096x48xf32, #tpu.memory_space<hbm>>) target(%dma_start3A_5 : memref<128x48xf32, #tpu.memory_space<vmem>>) offsets(%dma_start3A_6 : memref<128xi32, #tpu.memory_space<vmem>>) semaphore(%arg7 : memref<!tpu.dma_semaphore, #tpu.memory_space<semaphore_mem>>)
    %scan3A = arith.constant 0 : i32
    %scan3A_10 = arith.constant 0 : i32
    %scan3A_11 = arith.constant 15 : i32
    %scan3A_12 = arith.addi %scan3A_10, %scan3A_11 : i32
    %scan3A_13 = arith.constant 1 : i32
    %scan3A_14 = scf.for %scan3A_23 = %scan3A_10 to %scan3A_12 step %scan3A_13 iter_args(%scan3A_24 = %scan3A) -> (i32)  : i32 {
      %add3A_25 = arith.constant 1 : i32
      %add3A_26 = arith.addi %scan3A_23, %add3A_25 : i32
      %mul3A_27 = arith.constant 128 : i32
      %mul3A_28 = arith.muli %add3A_26, %mul3A_27 : i32
      %multiple_of3A_29 = tpu.assume_multiple %mul3A_28, 8 : i32
      %dma_start3A_30 = arith.constant 0 : i32
      %dma_start3A_31 = tpu.memref_slice %arg6[%multiple_of3A_29, %dma_start3A_30] : memref<2048x48xf32, #tpu.memory_space<vmem>> -> memref<128x48xf32, #tpu.memory_space<vmem>>
      %dma_start3A_32 = tpu.memref_slice %arg5[%multiple_of3A_29] : memref<2048xi32, #tpu.memory_space<vmem>> -> memref<128xi32, #tpu.memory_space<vmem>>
      %dma_start3A_33 = arith.constant 0 : i32
      %dma_start3A_34 = arith.constant 0 : i32
      %dma_start3A_35 = tpu.memref_slice %arg2[%dma_start3A_33, %dma_start3A_34] : memref<4096x48xf32, #tpu.memory_space<hbm>> -> memref<4096x48xf32, #tpu.memory_space<hbm>>
      tpu.enqueue_indirect_dma source(%dma_start3A_35 : memref<4096x48xf32, #tpu.memory_space<hbm>>) target(%dma_start3A_31 : memref<128x48xf32, #tpu.memory_space<vmem>>) offsets(%dma_start3A_32 : memref<128xi32, #tpu.memory_space<vmem>>) semaphore(%arg7 : memref<!tpu.dma_semaphore, #tpu.memory_space<semaphore_mem>>)
      %mul3A_36 = arith.constant 128 : i32
      %mul3A_37 = arith.muli %scan3A_23, %mul3A_36 : i32
      %multiple_of3A_38 = tpu.assume_multiple %mul3A_37, 8 : i32
      %dma_wait3A_39 = arith.constant 0 : i32
      %dma_wait3A_40 = tpu.memref_slice %arg6[%multiple_of3A_38, %dma_wait3A_39] : memref<2048x48xf32, #tpu.memory_space<vmem>> -> memref<128x48xf32, #tpu.memory_space<vmem>>
      %dma_wait3A_41 = tpu.memref_slice %arg5[%multiple_of3A_38] : memref<2048xi32, #tpu.memory_space<vmem>> -> memref<128xi32, #tpu.memory_space<vmem>>
      %dma_wait3A_42 = arith.constant 0 : i32
      %dma_wait3A_43 = arith.constant 0 : i32
      %dma_wait3A_44 = tpu.memref_slice %arg2[%dma_wait3A_42, %dma_wait3A_43] : memref<4096x48xf32, #tpu.memory_space<hbm>> -> memref<4096x48xf32, #tpu.memory_space<hbm>>
      tpu.wait_indirect_dma semaphore(%arg7 : memref<!tpu.dma_semaphore, #tpu.memory_space<semaphore_mem>>) src(%dma_wait3A_44 : memref<4096x48xf32, #tpu.memory_space<hbm>>) dst(%dma_wait3A_40 : memref<128x48xf32, #tpu.memory_space<vmem>>)
      %scan3A_45 = arith.constant 0 : i32
      scf.yield %scan3A_45 : i32
    }
    %scan3A_15 = arith.constant 15 : i32
    %multiple_of3A_16 = arith.constant 1920 : i32
    %multiple_of3A_17 = tpu.assume_multiple %multiple_of3A_16, 8 : i32
    %dma_wait3A = arith.constant 0 : i32
    %dma_wait3A_18 = tpu.memref_slice %arg6[%multiple_of3A_17, %dma_wait3A] : memref<2048x48xf32, #tpu.memory_space<vmem>> -> memref<128x48xf32, #tpu.memory_space<vmem>>
    %dma_wait3A_19 = tpu.memref_slice %arg5[%multiple_of3A_17] : memref<2048xi32, #tpu.memory_space<vmem>> -> memref<128xi32, #tpu.memory_space<vmem>>
    %dma_wait3A_20 = arith.constant 0 : i32
    %dma_wait3A_21 = arith.constant 0 : i32
    %dma_wait3A_22 = tpu.memref_slice %arg2[%dma_wait3A_20, %dma_wait3A_21] : memref<4096x48xf32, #tpu.memory_space<hbm>> -> memref<4096x48xf32, #tpu.memory_space<hbm>>
    tpu.wait_indirect_dma semaphore(%arg7 : memref<!tpu.dma_semaphore, #tpu.memory_space<semaphore_mem>>) src(%dma_wait3A_22 : memref<4096x48xf32, #tpu.memory_space<hbm>>) dst(%dma_wait3A_18 : memref<128x48xf32, #tpu.memory_space<vmem>>)
    "tpu.region"() ({
      %run_scoped3A = tpu.sem_alloc : memref<!tpu.dma_semaphore, #tpu.memory_space<semaphore_mem>>
      %dma_start3A_23 = arith.constant 0 : i32
      %dma_start3A_24 = tpu.memref_slice %arg4[%multiple_of3A, %dma_start3A_23] : memref<65536x48xf32, #tpu.memory_space<hbm>> -> memref<2048x48xf32, #tpu.memory_space<hbm>>
      %dma_start3A_25 = arith.constant 0 : i32
      %dma_start3A_26 = tpu.memref_slice %arg4[%multiple_of3A, %dma_start3A_25] : memref<65536x48xf32, #tpu.memory_space<hbm>> -> memref<2048x48xf32, #tpu.memory_space<hbm>>
      tpu.enqueue_dma source(%arg6 : memref<2048x48xf32, #tpu.memory_space<vmem>>) target(%dma_start3A_26 : memref<2048x48xf32, #tpu.memory_space<hbm>>) target_semaphore(%run_scoped3A : memref<!tpu.dma_semaphore, #tpu.memory_space<semaphore_mem>>)
      %dma_wait3A_27 = arith.constant 0 : i32
      %dma_wait3A_28 = tpu.memref_slice %arg4[%multiple_of3A, %dma_wait3A_27] : memref<65536x48xf32, #tpu.memory_space<hbm>> -> memref<2048x48xf32, #tpu.memory_space<hbm>>
      %dma_wait3A_29 = arith.constant 0 : i32
      %dma_wait3A_30 = tpu.memref_slice %arg4[%multiple_of3A, %dma_wait3A_29] : memref<65536x48xf32, #tpu.memory_space<hbm>> -> memref<2048x48xf32, #tpu.memory_space<hbm>>
      tpu.wait_dma2 semaphore(%run_scoped3A : memref<!tpu.dma_semaphore, #tpu.memory_space<semaphore_mem>>) src(%arg6 : memref<2048x48xf32, #tpu.memory_space<vmem>>) dst(%dma_wait3A_30 : memref<2048x48xf32, #tpu.memory_space<hbm>>)
      tpu.yield
    }) : () -> ()
    return
  }
}

#map = affine_map<(d0, d1) -> (0, 0)>
#map1 = affine_map<(d0, d1) -> (0)>
module attributes {stable_mosaic.version = 14 : i64} {
  func.func @_sc_gather_body(%arg0: i32, %arg1: i32, %arg2: memref<2048x80xf32, #tpu.memory_space<hbm>>, %arg3: memref<16384xi32, #tpu.memory_space<hbm>>, %arg4: memref<16384x80xf32, #tpu.memory_space<hbm>>, %arg5: memref<512xi32, #tpu.memory_space<vmem>>, %arg6: memref<512x80xf32, #tpu.memory_space<vmem>>, %arg7: memref<!tpu.dma_semaphore, #tpu.memory_space<semaphore_mem>>) attributes {dimension_semantics = [#tpu.dimension_semantics<core_parallel>, #tpu.dimension_semantics<subcore_parallel>], iteration_bounds = array<i64: 2, 16>, scalar_prefetch = 0 : i64, scratch_operands = 3 : i64, tpu.core_type = #tpu.core_type<sc_vector_subcore>, window_params = [{transform_indices = #map}, {transform_indices = #map1}, {transform_indices = #map}]} {
    %mul3A = arith.constant 2 : i32
    %mul3A_0 = arith.muli %arg1, %mul3A : i32
    %add3A = arith.addi %mul3A_0, %arg0 : i32
    %mul3A_1 = arith.constant 512 : i32
    %mul3A_2 = arith.muli %add3A, %mul3A_1 : i32
    %multiple_of3A = tpu.assume_multiple %mul3A_2, 8 : i32
    "tpu.region"() ({
      %run_scoped3A = tpu.sem_alloc : memref<!tpu.dma_semaphore, #tpu.memory_space<semaphore_mem>>
      %dma_start3A_23 = tpu.memref_slice %arg3[%multiple_of3A] : memref<16384xi32, #tpu.memory_space<hbm>> -> memref<512xi32, #tpu.memory_space<hbm>>
      %dma_start3A_24 = tpu.memref_slice %arg3[%multiple_of3A] : memref<16384xi32, #tpu.memory_space<hbm>> -> memref<512xi32, #tpu.memory_space<hbm>>
      tpu.enqueue_dma source(%dma_start3A_24 : memref<512xi32, #tpu.memory_space<hbm>>) target(%arg5 : memref<512xi32, #tpu.memory_space<vmem>>) target_semaphore(%run_scoped3A : memref<!tpu.dma_semaphore, #tpu.memory_space<semaphore_mem>>)
      %dma_wait3A_25 = tpu.memref_slice %arg3[%multiple_of3A] : memref<16384xi32, #tpu.memory_space<hbm>> -> memref<512xi32, #tpu.memory_space<hbm>>
      %dma_wait3A_26 = tpu.memref_slice %arg3[%multiple_of3A] : memref<16384xi32, #tpu.memory_space<hbm>> -> memref<512xi32, #tpu.memory_space<hbm>>
      tpu.wait_dma2 semaphore(%run_scoped3A : memref<!tpu.dma_semaphore, #tpu.memory_space<semaphore_mem>>) src(%dma_wait3A_26 : memref<512xi32, #tpu.memory_space<hbm>>) dst(%arg5 : memref<512xi32, #tpu.memory_space<vmem>>)
      tpu.yield
    }) : () -> ()
    %multiple_of3A_3 = arith.constant 0 : i32
    %multiple_of3A_4 = tpu.assume_multiple %multiple_of3A_3, 8 : i32
    %dma_start3A = arith.constant 0 : i32
    %dma_start3A_5 = tpu.memref_slice %arg6[%multiple_of3A_4, %dma_start3A] : memref<512x80xf32, #tpu.memory_space<vmem>> -> memref<128x80xf32, #tpu.memory_space<vmem>>
    %dma_start3A_6 = tpu.memref_slice %arg5[%multiple_of3A_4] : memref<512xi32, #tpu.memory_space<vmem>> -> memref<128xi32, #tpu.memory_space<vmem>>
    %dma_start3A_7 = arith.constant 0 : i32
    %dma_start3A_8 = arith.constant 0 : i32
    %dma_start3A_9 = tpu.memref_slice %arg2[%dma_start3A_7, %dma_start3A_8] : memref<2048x80xf32, #tpu.memory_space<hbm>> -> memref<2048x80xf32, #tpu.memory_space<hbm>>
    tpu.enqueue_indirect_dma source(%dma_start3A_9 : memref<2048x80xf32, #tpu.memory_space<hbm>>) target(%dma_start3A_5 : memref<128x80xf32, #tpu.memory_space<vmem>>) offsets(%dma_start3A_6 : memref<128xi32, #tpu.memory_space<vmem>>) semaphore(%arg7 : memref<!tpu.dma_semaphore, #tpu.memory_space<semaphore_mem>>)
    %scan3A = arith.constant 0 : i32
    %scan3A_10 = arith.constant 0 : i32
    %scan3A_11 = arith.constant 3 : i32
    %scan3A_12 = arith.addi %scan3A_10, %scan3A_11 : i32
    %scan3A_13 = arith.constant 1 : i32
    %scan3A_14 = scf.for %scan3A_23 = %scan3A_10 to %scan3A_12 step %scan3A_13 iter_args(%scan3A_24 = %scan3A) -> (i32)  : i32 {
      %add3A_25 = arith.constant 1 : i32
      %add3A_26 = arith.addi %scan3A_23, %add3A_25 : i32
      %mul3A_27 = arith.constant 128 : i32
      %mul3A_28 = arith.muli %add3A_26, %mul3A_27 : i32
      %multiple_of3A_29 = tpu.assume_multiple %mul3A_28, 8 : i32
      %dma_start3A_30 = arith.constant 0 : i32
      %dma_start3A_31 = tpu.memref_slice %arg6[%multiple_of3A_29, %dma_start3A_30] : memref<512x80xf32, #tpu.memory_space<vmem>> -> memref<128x80xf32, #tpu.memory_space<vmem>>
      %dma_start3A_32 = tpu.memref_slice %arg5[%multiple_of3A_29] : memref<512xi32, #tpu.memory_space<vmem>> -> memref<128xi32, #tpu.memory_space<vmem>>
      %dma_start3A_33 = arith.constant 0 : i32
      %dma_start3A_34 = arith.constant 0 : i32
      %dma_start3A_35 = tpu.memref_slice %arg2[%dma_start3A_33, %dma_start3A_34] : memref<2048x80xf32, #tpu.memory_space<hbm>> -> memref<2048x80xf32, #tpu.memory_space<hbm>>
      tpu.enqueue_indirect_dma source(%dma_start3A_35 : memref<2048x80xf32, #tpu.memory_space<hbm>>) target(%dma_start3A_31 : memref<128x80xf32, #tpu.memory_space<vmem>>) offsets(%dma_start3A_32 : memref<128xi32, #tpu.memory_space<vmem>>) semaphore(%arg7 : memref<!tpu.dma_semaphore, #tpu.memory_space<semaphore_mem>>)
      %mul3A_36 = arith.constant 128 : i32
      %mul3A_37 = arith.muli %scan3A_23, %mul3A_36 : i32
      %multiple_of3A_38 = tpu.assume_multiple %mul3A_37, 8 : i32
      %dma_wait3A_39 = arith.constant 0 : i32
      %dma_wait3A_40 = tpu.memref_slice %arg6[%multiple_of3A_38, %dma_wait3A_39] : memref<512x80xf32, #tpu.memory_space<vmem>> -> memref<128x80xf32, #tpu.memory_space<vmem>>
      %dma_wait3A_41 = tpu.memref_slice %arg5[%multiple_of3A_38] : memref<512xi32, #tpu.memory_space<vmem>> -> memref<128xi32, #tpu.memory_space<vmem>>
      %dma_wait3A_42 = arith.constant 0 : i32
      %dma_wait3A_43 = arith.constant 0 : i32
      %dma_wait3A_44 = tpu.memref_slice %arg2[%dma_wait3A_42, %dma_wait3A_43] : memref<2048x80xf32, #tpu.memory_space<hbm>> -> memref<2048x80xf32, #tpu.memory_space<hbm>>
      tpu.wait_indirect_dma semaphore(%arg7 : memref<!tpu.dma_semaphore, #tpu.memory_space<semaphore_mem>>) src(%dma_wait3A_44 : memref<2048x80xf32, #tpu.memory_space<hbm>>) dst(%dma_wait3A_40 : memref<128x80xf32, #tpu.memory_space<vmem>>)
      %scan3A_45 = arith.constant 0 : i32
      scf.yield %scan3A_45 : i32
    }
    %scan3A_15 = arith.constant 3 : i32
    %multiple_of3A_16 = arith.constant 384 : i32
    %multiple_of3A_17 = tpu.assume_multiple %multiple_of3A_16, 8 : i32
    %dma_wait3A = arith.constant 0 : i32
    %dma_wait3A_18 = tpu.memref_slice %arg6[%multiple_of3A_17, %dma_wait3A] : memref<512x80xf32, #tpu.memory_space<vmem>> -> memref<128x80xf32, #tpu.memory_space<vmem>>
    %dma_wait3A_19 = tpu.memref_slice %arg5[%multiple_of3A_17] : memref<512xi32, #tpu.memory_space<vmem>> -> memref<128xi32, #tpu.memory_space<vmem>>
    %dma_wait3A_20 = arith.constant 0 : i32
    %dma_wait3A_21 = arith.constant 0 : i32
    %dma_wait3A_22 = tpu.memref_slice %arg2[%dma_wait3A_20, %dma_wait3A_21] : memref<2048x80xf32, #tpu.memory_space<hbm>> -> memref<2048x80xf32, #tpu.memory_space<hbm>>
    tpu.wait_indirect_dma semaphore(%arg7 : memref<!tpu.dma_semaphore, #tpu.memory_space<semaphore_mem>>) src(%dma_wait3A_22 : memref<2048x80xf32, #tpu.memory_space<hbm>>) dst(%dma_wait3A_18 : memref<128x80xf32, #tpu.memory_space<vmem>>)
    "tpu.region"() ({
      %run_scoped3A = tpu.sem_alloc : memref<!tpu.dma_semaphore, #tpu.memory_space<semaphore_mem>>
      %dma_start3A_23 = arith.constant 0 : i32
      %dma_start3A_24 = tpu.memref_slice %arg4[%multiple_of3A, %dma_start3A_23] : memref<16384x80xf32, #tpu.memory_space<hbm>> -> memref<512x80xf32, #tpu.memory_space<hbm>>
      %dma_start3A_25 = arith.constant 0 : i32
      %dma_start3A_26 = tpu.memref_slice %arg4[%multiple_of3A, %dma_start3A_25] : memref<16384x80xf32, #tpu.memory_space<hbm>> -> memref<512x80xf32, #tpu.memory_space<hbm>>
      tpu.enqueue_dma source(%arg6 : memref<512x80xf32, #tpu.memory_space<vmem>>) target(%dma_start3A_26 : memref<512x80xf32, #tpu.memory_space<hbm>>) target_semaphore(%run_scoped3A : memref<!tpu.dma_semaphore, #tpu.memory_space<semaphore_mem>>)
      %dma_wait3A_27 = arith.constant 0 : i32
      %dma_wait3A_28 = tpu.memref_slice %arg4[%multiple_of3A, %dma_wait3A_27] : memref<16384x80xf32, #tpu.memory_space<hbm>> -> memref<512x80xf32, #tpu.memory_space<hbm>>
      %dma_wait3A_29 = arith.constant 0 : i32
      %dma_wait3A_30 = tpu.memref_slice %arg4[%multiple_of3A, %dma_wait3A_29] : memref<16384x80xf32, #tpu.memory_space<hbm>> -> memref<512x80xf32, #tpu.memory_space<hbm>>
      tpu.wait_dma2 semaphore(%run_scoped3A : memref<!tpu.dma_semaphore, #tpu.memory_space<semaphore_mem>>) src(%arg6 : memref<512x80xf32, #tpu.memory_space<vmem>>) dst(%dma_wait3A_30 : memref<512x80xf32, #tpu.memory_space<hbm>>)
      tpu.yield
    }) : () -> ()
    return
  }
}

module attributes {stable_mosaic.version = 14 : i64} {
  func.func @_fps_kernel(%arg0: memref<3x4x8192xf32, #tpu.memory_space<vmem>>, %arg1: memref<1024x4x3xf32, #tpu.memory_space<vmem>>) attributes {dimension_semantics = [], scalar_prefetch = 0 : i64, scratch_operands = 0 : i64, tpu.core_type = #tpu.core_type<tc>} {
    %get3A = arith.constant 0 : index
    %get3A_0 = arith.constant 0 : index
    %get3A_1 = arith.constant 0 : index
    %get3A_2 = vector.load %arg0[%get3A, %get3A_0, %get3A_1] : memref<3x4x8192xf32, #tpu.memory_space<vmem>>, vector<1x4x8192xf32>
    %get3A_3 = vector.shape_cast %get3A_2 : vector<1x4x8192xf32> to vector<4x8192xf32>
    %get3A_4 = arith.constant 1 : index
    %get3A_5 = arith.constant 0 : index
    %get3A_6 = arith.constant 0 : index
    %get3A_7 = vector.load %arg0[%get3A_4, %get3A_5, %get3A_6] : memref<3x4x8192xf32, #tpu.memory_space<vmem>>, vector<1x4x8192xf32>
    %get3A_8 = vector.shape_cast %get3A_7 : vector<1x4x8192xf32> to vector<4x8192xf32>
    %get3A_9 = arith.constant 2 : index
    %get3A_10 = arith.constant 0 : index
    %get3A_11 = arith.constant 0 : index
    %get3A_12 = vector.load %arg0[%get3A_9, %get3A_10, %get3A_11] : memref<3x4x8192xf32, #tpu.memory_space<vmem>>, vector<1x4x8192xf32>
    %get3A_13 = vector.shape_cast %get3A_12 : vector<1x4x8192xf32> to vector<4x8192xf32>
    %iota3A = tpu.iota {dimensions = array<i32: 1>} : vector<4x8192xi32>
    %slice3A = vector.extract_strided_slice %get3A_3 {offsets = [0, 0], sizes = [4, 1], strides = [1, 1]} : vector<4x8192xf32> to vector<4x1xf32>
    %slice3A_14 = vector.extract_strided_slice %get3A_8 {offsets = [0, 0], sizes = [4, 1], strides = [1, 1]} : vector<4x8192xf32> to vector<4x1xf32>
    %slice3A_15 = vector.extract_strided_slice %get3A_13 {offsets = [0, 0], sizes = [4, 1], strides = [1, 1]} : vector<4x8192xf32> to vector<4x1xf32>
    %concatenate3A = tpu.concatenate %slice3A, %slice3A_14, %slice3A_15 in 1 : vector<4x1xf32>, vector<4x1xf32>, vector<4x1xf32> -> vector<4x3xf32>
    %swap3A = arith.constant 0 : index
    %swap3A_16 = arith.constant 0 : index
    %swap3A_17 = arith.constant 0 : index
    %swap3A_18 = vector.load %arg1[%swap3A, %swap3A_16, %swap3A_17] : memref<1024x4x3xf32, #tpu.memory_space<vmem>>, vector<1x4x3xf32>
    %swap3A_19 = vector.shape_cast %swap3A_18 : vector<1x4x3xf32> to vector<4x3xf32>
    %swap3A_20 = vector.shape_cast %concatenate3A : vector<4x3xf32> to vector<1x4x3xf32>
    tpu.vector_store %arg1[%swap3A, %swap3A_16, %swap3A_17], %swap3A_20 {strides = array<i32>} : memref<1024x4x3xf32, #tpu.memory_space<vmem>>, vector<1x4x3xf32>,
    %broadcast_in_dim3A = arith.constant 1.000000e+10 : f32
    %broadcast_in_dim3A_21 = vector.broadcast %broadcast_in_dim3A : f32 to vector<4x8192xf32>
    %scan3A = arith.constant 1 : i32
    %scan3A_22 = arith.constant 1023 : i32
    %scan3A_23 = arith.addi %scan3A, %scan3A_22 : i32
    %scan3A_24 = arith.constant 1 : i32
    %scan3A_25:4 = scf.for %scan3A_27 = %scan3A to %scan3A_23 step %scan3A_24 iter_args(%scan3A_28 = %broadcast_in_dim3A_21, %scan3A_29 = %slice3A, %scan3A_30 = %slice3A_14, %scan3A_31 = %slice3A_15) -> (vector<4x8192xf32>, vector<4x1xf32>, vector<4x1xf32>, vector<4x1xf32>)  : i32 {
      %sub3A = vector.broadcast %scan3A_29 : vector<4x1xf32> to vector<4x8192xf32>
      %sub3A_32 = arith.subf %get3A_3, %sub3A : vector<4x8192xf32>
      %integer_pow3A = arith.mulf %sub3A_32, %sub3A_32 : vector<4x8192xf32>
      %sub3A_33 = vector.broadcast %scan3A_30 : vector<4x1xf32> to vector<4x8192xf32>
      %sub3A_34 = arith.subf %get3A_8, %sub3A_33 : vector<4x8192xf32>
      %integer_pow3A_35 = arith.mulf %sub3A_34, %sub3A_34 : vector<4x8192xf32>
      %add3A = arith.addf %integer_pow3A, %integer_pow3A_35 : vector<4x8192xf32>
      %sub3A_36 = vector.broadcast %scan3A_31 : vector<4x1xf32> to vector<4x8192xf32>
      %sub3A_37 = arith.subf %get3A_13, %sub3A_36 : vector<4x8192xf32>
      %integer_pow3A_38 = arith.mulf %sub3A_37, %sub3A_37 : vector<4x8192xf32>
      %add3A_39 = arith.addf %add3A, %integer_pow3A_38 : vector<4x8192xf32>
      %min3A = arith.minimumf %scan3A_28, %add3A_39 : vector<4x8192xf32>
      %argmax3A = tpu.reduce_index %min3A {axis = 1 : i32, kind = #tpu.reduction_kind<arg_max>} : vector<4x8192xf32> -> vector<4xi32>
      %broadcast_in_dim3A_40 = vector.shape_cast %argmax3A : vector<4xi32> to vector<4x1xi32>
      %eq3A = vector.broadcast %broadcast_in_dim3A_40 : vector<4x1xi32> to vector<4x8192xi32>
      %eq3A_41 = arith.cmpi eq, %iota3A, %eq3A : vector<4x8192xi32>
      %jit3A = arith.constant 0.000000e+00 : f32
      %broadcast_in_dim3A_42 = vector.broadcast %jit3A : f32 to vector<4x8192xf32>
      %select_n3A = arith.select %eq3A_41, %get3A_3, %broadcast_in_dim3A_42 : vector<4x8192xi1>, vector<4x8192xf32>
      %reduce_sum3A = arith.constant dense<0.000000e+00> : vector<4xf32>
      %reduce_sum3A_43 = vector.multi_reduction <add>, %select_n3A, %reduce_sum3A [1] : vector<4x8192xf32> to vector<4xf32>
      %broadcast_in_dim3A_44 = vector.shape_cast %reduce_sum3A_43 : vector<4xf32> to vector<4x1xf32>
      %jit3A_45 = arith.constant 0.000000e+00 : f32
      %broadcast_in_dim3A_46 = vector.broadcast %jit3A_45 : f32 to vector<4x8192xf32>
      %select_n3A_47 = arith.select %eq3A_41, %get3A_8, %broadcast_in_dim3A_46 : vector<4x8192xi1>, vector<4x8192xf32>
      %reduce_sum3A_48 = arith.constant dense<0.000000e+00> : vector<4xf32>
      %reduce_sum3A_49 = vector.multi_reduction <add>, %select_n3A_47, %reduce_sum3A_48 [1] : vector<4x8192xf32> to vector<4xf32>
      %broadcast_in_dim3A_50 = vector.shape_cast %reduce_sum3A_49 : vector<4xf32> to vector<4x1xf32>
      %jit3A_51 = arith.constant 0.000000e+00 : f32
      %broadcast_in_dim3A_52 = vector.broadcast %jit3A_51 : f32 to vector<4x8192xf32>
      %select_n3A_53 = arith.select %eq3A_41, %get3A_13, %broadcast_in_dim3A_52 : vector<4x8192xi1>, vector<4x8192xf32>
      %reduce_sum3A_54 = arith.constant dense<0.000000e+00> : vector<4xf32>
      %reduce_sum3A_55 = vector.multi_reduction <add>, %select_n3A_53, %reduce_sum3A_54 [1] : vector<4x8192xf32> to vector<4xf32>
      %broadcast_in_dim3A_56 = vector.shape_cast %reduce_sum3A_55 : vector<4xf32> to vector<4x1xf32>
      %concatenate3A_57 = tpu.concatenate %broadcast_in_dim3A_44, %broadcast_in_dim3A_50, %broadcast_in_dim3A_56 in 1 : vector<4x1xf32>, vector<4x1xf32>, vector<4x1xf32> -> vector<4x3xf32>
      %broadcast_in_dim3A_58 = vector.shape_cast %concatenate3A_57 : vector<4x3xf32> to vector<1x4x3xf32>
      %swap3A_59 = arith.index_cast %scan3A_27 : i32 to index
      %swap3A_60 = arith.constant 0 : index
      %swap3A_61 = arith.constant 0 : index
      %swap3A_62 = vector.load %arg1[%swap3A_59, %swap3A_60, %swap3A_61] : memref<1024x4x3xf32, #tpu.memory_space<vmem>>, vector<1x4x3xf32>
      tpu.vector_store %arg1[%swap3A_59, %swap3A_60, %swap3A_61], %broadcast_in_dim3A_58 {strides = array<i32>} : memref<1024x4x3xf32, #tpu.memory_space<vmem>>, vector<1x4x3xf32>,
      scf.yield %min3A, %broadcast_in_dim3A_44, %broadcast_in_dim3A_50, %broadcast_in_dim3A_56 : vector<4x8192xf32>, vector<4x1xf32>, vector<4x1xf32>, vector<4x1xf32>
    }
    %scan3A_26 = arith.constant 1023 : i32
    return
  }
}

module attributes {stable_mosaic.version = 14 : i64} {
  func.func @_bq_kernel(%arg0: i32, %arg1: i32, %arg2: memref<1x3x8192xf32, #tpu.memory_space<vmem>>, %arg3: memref<1x256x3xf32, #tpu.memory_space<vmem>>, %arg4: memref<1x256x32xi32, #tpu.memory_space<vmem>>) attributes {dimension_semantics = [#tpu.dimension_semantics<arbitrary>, #tpu.dimension_semantics<arbitrary>], iteration_bounds = array<i64: 4, 4>, scalar_prefetch = 0 : i64, scratch_operands = 0 : i64, tpu.core_type = #tpu.core_type<tc>, window_params = [{transform_indices = @transform_0, window_bounds = array<i64: 1, 3, 8192>}, {transform_indices = @transform_1, window_bounds = array<i64: 1, 256, 3>}, {transform_indices = @transform_2, window_bounds = array<i64: 1, 256, 32>}]} {
    %get3A = arith.constant 0 : index
    %get3A_0 = arith.constant 0 : index
    %get3A_1 = arith.constant 0 : index
    %get3A_2 = vector.load %arg2[%get3A, %get3A_0, %get3A_1] : memref<1x3x8192xf32, #tpu.memory_space<vmem>>, vector<1x1x8192xf32>
    %get3A_3 = vector.shape_cast %get3A_2 : vector<1x1x8192xf32> to vector<1x8192xf32>
    %get3A_4 = arith.constant 0 : index
    %get3A_5 = arith.constant 1 : index
    %get3A_6 = arith.constant 0 : index
    %get3A_7 = vector.load %arg2[%get3A_4, %get3A_5, %get3A_6] : memref<1x3x8192xf32, #tpu.memory_space<vmem>>, vector<1x1x8192xf32>
    %get3A_8 = vector.shape_cast %get3A_7 : vector<1x1x8192xf32> to vector<1x8192xf32>
    %get3A_9 = arith.constant 0 : index
    %get3A_10 = arith.constant 2 : index
    %get3A_11 = arith.constant 0 : index
    %get3A_12 = vector.load %arg2[%get3A_9, %get3A_10, %get3A_11] : memref<1x3x8192xf32, #tpu.memory_space<vmem>>, vector<1x1x8192xf32>
    %get3A_13 = vector.shape_cast %get3A_12 : vector<1x1x8192xf32> to vector<1x8192xf32>
    %get3A_14 = arith.constant 0 : index
    %get3A_15 = arith.constant 0 : index
    %get3A_16 = arith.constant 0 : index
    %get3A_17 = vector.load %arg3[%get3A_14, %get3A_15, %get3A_16] : memref<1x256x3xf32, #tpu.memory_space<vmem>>, vector<1x256x1xf32>
    %get3A_18 = vector.shape_cast %get3A_17 : vector<1x256x1xf32> to vector<256x1xf32>
    %get3A_19 = arith.constant 0 : index
    %get3A_20 = arith.constant 0 : index
    %get3A_21 = arith.constant 1 : index
    %get3A_22 = vector.load %arg3[%get3A_19, %get3A_20, %get3A_21] : memref<1x256x3xf32, #tpu.memory_space<vmem>>, vector<1x256x1xf32>
    %get3A_23 = vector.shape_cast %get3A_22 : vector<1x256x1xf32> to vector<256x1xf32>
    %get3A_24 = arith.constant 0 : index
    %get3A_25 = arith.constant 0 : index
    %get3A_26 = arith.constant 2 : index
    %get3A_27 = vector.load %arg3[%get3A_24, %get3A_25, %get3A_26] : memref<1x256x3xf32, #tpu.memory_space<vmem>>, vector<1x256x1xf32>
    %get3A_28 = vector.shape_cast %get3A_27 : vector<1x256x1xf32> to vector<256x1xf32>
    %sub3A = vector.broadcast %get3A_18 : vector<256x1xf32> to vector<256x8192xf32>
    %sub3A_29 = vector.broadcast %get3A_3 : vector<1x8192xf32> to vector<256x8192xf32>
    %sub3A_30 = arith.subf %sub3A, %sub3A_29 : vector<256x8192xf32>
    %integer_pow3A = arith.mulf %sub3A_30, %sub3A_30 : vector<256x8192xf32>
    %sub3A_31 = vector.broadcast %get3A_23 : vector<256x1xf32> to vector<256x8192xf32>
    %sub3A_32 = vector.broadcast %get3A_8 : vector<1x8192xf32> to vector<256x8192xf32>
    %sub3A_33 = arith.subf %sub3A_31, %sub3A_32 : vector<256x8192xf32>
    %integer_pow3A_34 = arith.mulf %sub3A_33, %sub3A_33 : vector<256x8192xf32>
    %add3A = arith.addf %integer_pow3A, %integer_pow3A_34 : vector<256x8192xf32>
    %sub3A_35 = vector.broadcast %get3A_28 : vector<256x1xf32> to vector<256x8192xf32>
    %sub3A_36 = vector.broadcast %get3A_13 : vector<1x8192xf32> to vector<256x8192xf32>
    %sub3A_37 = arith.subf %sub3A_35, %sub3A_36 : vector<256x8192xf32>
    %integer_pow3A_38 = arith.mulf %sub3A_37, %sub3A_37 : vector<256x8192xf32>
    %add3A_39 = arith.addf %add3A, %integer_pow3A_38 : vector<256x8192xf32>
    %iota3A = tpu.iota {dimensions = array<i32: 1>} : vector<256x8192xi32>
    %le3A = arith.constant 0.00999999977 : f32
    %le3A_40 = vector.broadcast %le3A : f32 to vector<256x8192xf32>
    %le3A_41 = arith.cmpf ole, %add3A_39, %le3A_40 : vector<256x8192xf32>
    %jit3A = arith.constant 8192 : i32
    %broadcast_in_dim3A = vector.broadcast %jit3A : i32 to vector<256x8192xi32>
    %select_n3A = arith.select %le3A_41, %iota3A, %broadcast_in_dim3A : vector<256x8192xi1>, vector<256x8192xi32>
    %iota3A_42 = tpu.iota {dimensions = array<i32: 1>} : vector<256x32xi32>
    %broadcast_in_dim3A_43 = arith.constant 8192 : i32
    %broadcast_in_dim3A_44 = vector.broadcast %broadcast_in_dim3A_43 : i32 to vector<256x32xi32>
    %while3A = arith.constant 0 : i32
    %while3A_45 = arith.constant true
    %while3A_46:4 = scf.while (%while3A_66 = %while3A, %while3A_67 = %select_n3A, %while3A_68 = %broadcast_in_dim3A_44, %while3A_69 = %while3A_45) : (i32, vector<256x8192xi32>, vector<256x32xi32>, i1) -> (i32, vector<256x8192xi32>, vector<256x32xi32>, i1) {
      %lt3A_70 = arith.constant 32 : i32
      %lt3A_71 = arith.cmpi slt, %while3A_66, %lt3A_70 : i32
      %and3A = arith.andi %lt3A_71, %while3A_69 : i1
      scf.condition(%and3A) %while3A_66, %while3A_67, %while3A_68, %while3A_69 : i32, vector<256x8192xi32>, vector<256x32xi32>, i1
    } do {
    ^bb0(%while3A_66: i32, %while3A_67: vector<256x8192xi32>, %while3A_68: vector<256x32xi32>, %while3A_69: i1):
      %reduce_min3A = arith.constant dense<2147483647> : vector<256xi32>
      %reduce_min3A_70 = vector.multi_reduction <minsi>, %while3A_67, %reduce_min3A [1] : vector<256x8192xi32> to vector<256xi32>
      %broadcast_in_dim3A_71 = vector.shape_cast %reduce_min3A_70 : vector<256xi32> to vector<256x1xi32>
      %eq3A = vector.broadcast %while3A_66 : i32 to vector<256x32xi32>
      %eq3A_72 = arith.cmpi eq, %iota3A_42, %eq3A : vector<256x32xi32>
      %broadcast_in_dim3A_73 = vector.shape_cast %broadcast_in_dim3A_71 : vector<256x1xi32> to vector<256x1xi32>
      %broadcast_in_dim3A_74 = vector.broadcast %broadcast_in_dim3A_73 : vector<256x1xi32> to vector<256x32xi32>
      %select_n3A_75 = arith.select %eq3A_72, %broadcast_in_dim3A_74, %while3A_68 : vector<256x32xi1>, vector<256x32xi32>
      %eq3A_76 = vector.broadcast %broadcast_in_dim3A_71 : vector<256x1xi32> to vector<256x8192xi32>
      %eq3A_77 = arith.cmpi eq, %while3A_67, %eq3A_76 : vector<256x8192xi32>
      %jit3A_78 = arith.constant 8192 : i32
      %broadcast_in_dim3A_79 = vector.broadcast %jit3A_78 : i32 to vector<256x8192xi32>
      %select_n3A_80 = arith.select %eq3A_77, %broadcast_in_dim3A_79, %while3A_67 : vector<256x8192xi1>, vector<256x8192xi32>
      %add3A_81 = arith.constant 1 : i32
      %add3A_82 = arith.addi %while3A_66, %add3A_81 : i32
      %reduce_min3A_83 = vector.shape_cast %broadcast_in_dim3A_71 : vector<256x1xi32> to vector<1x256x1xi32>
      %reduce_min3A_84 = arith.constant dense<2147483647> : vector<1xi32>
      %reduce_min3A_85 = vector.multi_reduction <minsi>, %reduce_min3A_83, %reduce_min3A_84 [1, 2] : vector<1x256x1xi32> to vector<1xi32>
      %reduce_min3A_86 = vector.shape_cast %reduce_min3A_85 : vector<1xi32> to vector<1x1x1xi32>
      %reduce_min3A_87 = vector.extract %reduce_min3A_86[0, 0, 0] : i32 from vector<1x1x1xi32>
      %lt3A_88 = arith.constant 8192 : i32
      %lt3A_89 = arith.cmpi slt, %reduce_min3A_87, %lt3A_88 : i32
      scf.yield %add3A_82, %select_n3A_80, %select_n3A_75, %lt3A_89 : i32, vector<256x8192xi32>, vector<256x32xi32>, i1
    }
    %slice3A = vector.extract_strided_slice %while3A_46#2 {offsets = [0, 0], sizes = [256, 1], strides = [1, 1]} : vector<256x32xi32> to vector<256x1xi32>
    %lt3A = arith.constant 8192 : i32
    %lt3A_47 = vector.broadcast %lt3A : i32 to vector<256x1xi32>
    %lt3A_48 = arith.cmpi slt, %slice3A, %lt3A_47 : vector<256x1xi32>
    %jit3A_49 = arith.constant 0 : i32
    %broadcast_in_dim3A_50 = vector.broadcast %jit3A_49 : i32 to vector<256x1xi32>
    %select_n3A_51 = arith.select %lt3A_48, %slice3A, %broadcast_in_dim3A_50 : vector<256x1xi1>, vector<256x1xi32>
    %lt3A_52 = arith.constant 8192 : i32
    %lt3A_53 = vector.broadcast %lt3A_52 : i32 to vector<256x32xi32>
    %lt3A_54 = arith.cmpi slt, %while3A_46#2, %lt3A_53 : vector<256x32xi32>
    %broadcast_in_dim3A_55 = vector.shape_cast %select_n3A_51 : vector<256x1xi32> to vector<256x1xi32>
    %broadcast_in_dim3A_56 = vector.broadcast %broadcast_in_dim3A_55 : vector<256x1xi32> to vector<256x32xi32>
    %select_n3A_57 = arith.select %lt3A_54, %while3A_46#2, %broadcast_in_dim3A_56 : vector<256x32xi1>, vector<256x32xi32>
    %mul3A = arith.constant 8192 : i32
    %mul3A_58 = arith.muli %arg0, %mul3A : i32
    %add3A_59 = vector.broadcast %mul3A_58 : i32 to vector<256x32xi32>
    %add3A_60 = arith.addi %select_n3A_57, %add3A_59 : vector<256x32xi32>
    %swap3A = arith.constant 0 : index
    %swap3A_61 = arith.constant 0 : index
    %swap3A_62 = arith.constant 0 : index
    %swap3A_63 = vector.load %arg4[%swap3A, %swap3A_61, %swap3A_62] : memref<1x256x32xi32, #tpu.memory_space<vmem>>, vector<1x256x32xi32>
    %swap3A_64 = vector.shape_cast %swap3A_63 : vector<1x256x32xi32> to vector<256x32xi32>
    %swap3A_65 = vector.shape_cast %add3A_60 : vector<256x32xi32> to vector<1x256x32xi32>
    tpu.vector_store %arg4[%swap3A, %swap3A_61, %swap3A_62], %swap3A_65 {strides = array<i32>} : memref<1x256x32xi32, #tpu.memory_space<vmem>>, vector<1x256x32xi32>,
    return
  }
  func.func @transform_0(%arg0: i32, %arg1: i32) -> (i32, i32, i32) {
    %c0_i32 = arith.constant 0 : i32
    %c0_i32_0 = arith.constant 0 : i32
    %c0_i32_1 = arith.constant 0 : i32
    return %arg0, %c0_i32, %c0_i32_0 : i32, i32, i32
  }
  func.func @transform_1(%arg0: i32, %arg1: i32) -> (i32, i32, i32) {
    %c0_i32 = arith.constant 0 : i32
    %c0_i32_0 = arith.constant 0 : i32
    return %arg0, %arg1, %c0_i32 : i32, i32, i32
  }
  func.func @transform_2(%arg0: i32, %arg1: i32) -> (i32, i32, i32) {
    %c0_i32 = arith.constant 0 : i32
    %c0_i32_0 = arith.constant 0 : i32
    return %arg0, %arg1, %c0_i32 : i32, i32, i32
  }
}

module attributes {stable_mosaic.version = 14 : i64} {
  func.func @_fps_kernel(%arg0: memref<3x4x1024xf32, #tpu.memory_space<vmem>>, %arg1: memref<512x4x3xf32, #tpu.memory_space<vmem>>) attributes {dimension_semantics = [], scalar_prefetch = 0 : i64, scratch_operands = 0 : i64, tpu.core_type = #tpu.core_type<tc>} {
    %get3A = arith.constant 0 : index
    %get3A_0 = arith.constant 0 : index
    %get3A_1 = arith.constant 0 : index
    %get3A_2 = vector.load %arg0[%get3A, %get3A_0, %get3A_1] : memref<3x4x1024xf32, #tpu.memory_space<vmem>>, vector<1x4x1024xf32>
    %get3A_3 = vector.shape_cast %get3A_2 : vector<1x4x1024xf32> to vector<4x1024xf32>
    %get3A_4 = arith.constant 1 : index
    %get3A_5 = arith.constant 0 : index
    %get3A_6 = arith.constant 0 : index
    %get3A_7 = vector.load %arg0[%get3A_4, %get3A_5, %get3A_6] : memref<3x4x1024xf32, #tpu.memory_space<vmem>>, vector<1x4x1024xf32>
    %get3A_8 = vector.shape_cast %get3A_7 : vector<1x4x1024xf32> to vector<4x1024xf32>
    %get3A_9 = arith.constant 2 : index
    %get3A_10 = arith.constant 0 : index
    %get3A_11 = arith.constant 0 : index
    %get3A_12 = vector.load %arg0[%get3A_9, %get3A_10, %get3A_11] : memref<3x4x1024xf32, #tpu.memory_space<vmem>>, vector<1x4x1024xf32>
    %get3A_13 = vector.shape_cast %get3A_12 : vector<1x4x1024xf32> to vector<4x1024xf32>
    %iota3A = tpu.iota {dimensions = array<i32: 1>} : vector<4x1024xi32>
    %slice3A = vector.extract_strided_slice %get3A_3 {offsets = [0, 0], sizes = [4, 1], strides = [1, 1]} : vector<4x1024xf32> to vector<4x1xf32>
    %slice3A_14 = vector.extract_strided_slice %get3A_8 {offsets = [0, 0], sizes = [4, 1], strides = [1, 1]} : vector<4x1024xf32> to vector<4x1xf32>
    %slice3A_15 = vector.extract_strided_slice %get3A_13 {offsets = [0, 0], sizes = [4, 1], strides = [1, 1]} : vector<4x1024xf32> to vector<4x1xf32>
    %concatenate3A = tpu.concatenate %slice3A, %slice3A_14, %slice3A_15 in 1 : vector<4x1xf32>, vector<4x1xf32>, vector<4x1xf32> -> vector<4x3xf32>
    %swap3A = arith.constant 0 : index
    %swap3A_16 = arith.constant 0 : index
    %swap3A_17 = arith.constant 0 : index
    %swap3A_18 = vector.load %arg1[%swap3A, %swap3A_16, %swap3A_17] : memref<512x4x3xf32, #tpu.memory_space<vmem>>, vector<1x4x3xf32>
    %swap3A_19 = vector.shape_cast %swap3A_18 : vector<1x4x3xf32> to vector<4x3xf32>
    %swap3A_20 = vector.shape_cast %concatenate3A : vector<4x3xf32> to vector<1x4x3xf32>
    tpu.vector_store %arg1[%swap3A, %swap3A_16, %swap3A_17], %swap3A_20 {strides = array<i32>} : memref<512x4x3xf32, #tpu.memory_space<vmem>>, vector<1x4x3xf32>,
    %broadcast_in_dim3A = arith.constant 1.000000e+10 : f32
    %broadcast_in_dim3A_21 = vector.broadcast %broadcast_in_dim3A : f32 to vector<4x1024xf32>
    %scan3A = arith.constant 1 : i32
    %scan3A_22 = arith.constant 511 : i32
    %scan3A_23 = arith.addi %scan3A, %scan3A_22 : i32
    %scan3A_24 = arith.constant 1 : i32
    %scan3A_25:4 = scf.for %scan3A_27 = %scan3A to %scan3A_23 step %scan3A_24 iter_args(%scan3A_28 = %broadcast_in_dim3A_21, %scan3A_29 = %slice3A, %scan3A_30 = %slice3A_14, %scan3A_31 = %slice3A_15) -> (vector<4x1024xf32>, vector<4x1xf32>, vector<4x1xf32>, vector<4x1xf32>)  : i32 {
      %sub3A = vector.broadcast %scan3A_29 : vector<4x1xf32> to vector<4x1024xf32>
      %sub3A_32 = arith.subf %get3A_3, %sub3A : vector<4x1024xf32>
      %integer_pow3A = arith.mulf %sub3A_32, %sub3A_32 : vector<4x1024xf32>
      %sub3A_33 = vector.broadcast %scan3A_30 : vector<4x1xf32> to vector<4x1024xf32>
      %sub3A_34 = arith.subf %get3A_8, %sub3A_33 : vector<4x1024xf32>
      %integer_pow3A_35 = arith.mulf %sub3A_34, %sub3A_34 : vector<4x1024xf32>
      %add3A = arith.addf %integer_pow3A, %integer_pow3A_35 : vector<4x1024xf32>
      %sub3A_36 = vector.broadcast %scan3A_31 : vector<4x1xf32> to vector<4x1024xf32>
      %sub3A_37 = arith.subf %get3A_13, %sub3A_36 : vector<4x1024xf32>
      %integer_pow3A_38 = arith.mulf %sub3A_37, %sub3A_37 : vector<4x1024xf32>
      %add3A_39 = arith.addf %add3A, %integer_pow3A_38 : vector<4x1024xf32>
      %min3A = arith.minimumf %scan3A_28, %add3A_39 : vector<4x1024xf32>
      %argmax3A = tpu.reduce_index %min3A {axis = 1 : i32, kind = #tpu.reduction_kind<arg_max>} : vector<4x1024xf32> -> vector<4xi32>
      %broadcast_in_dim3A_40 = vector.shape_cast %argmax3A : vector<4xi32> to vector<4x1xi32>
      %eq3A = vector.broadcast %broadcast_in_dim3A_40 : vector<4x1xi32> to vector<4x1024xi32>
      %eq3A_41 = arith.cmpi eq, %iota3A, %eq3A : vector<4x1024xi32>
      %jit3A = arith.constant 0.000000e+00 : f32
      %broadcast_in_dim3A_42 = vector.broadcast %jit3A : f32 to vector<4x1024xf32>
      %select_n3A = arith.select %eq3A_41, %get3A_3, %broadcast_in_dim3A_42 : vector<4x1024xi1>, vector<4x1024xf32>
      %reduce_sum3A = arith.constant dense<0.000000e+00> : vector<4xf32>
      %reduce_sum3A_43 = vector.multi_reduction <add>, %select_n3A, %reduce_sum3A [1] : vector<4x1024xf32> to vector<4xf32>
      %broadcast_in_dim3A_44 = vector.shape_cast %reduce_sum3A_43 : vector<4xf32> to vector<4x1xf32>
      %jit3A_45 = arith.constant 0.000000e+00 : f32
      %broadcast_in_dim3A_46 = vector.broadcast %jit3A_45 : f32 to vector<4x1024xf32>
      %select_n3A_47 = arith.select %eq3A_41, %get3A_8, %broadcast_in_dim3A_46 : vector<4x1024xi1>, vector<4x1024xf32>
      %reduce_sum3A_48 = arith.constant dense<0.000000e+00> : vector<4xf32>
      %reduce_sum3A_49 = vector.multi_reduction <add>, %select_n3A_47, %reduce_sum3A_48 [1] : vector<4x1024xf32> to vector<4xf32>
      %broadcast_in_dim3A_50 = vector.shape_cast %reduce_sum3A_49 : vector<4xf32> to vector<4x1xf32>
      %jit3A_51 = arith.constant 0.000000e+00 : f32
      %broadcast_in_dim3A_52 = vector.broadcast %jit3A_51 : f32 to vector<4x1024xf32>
      %select_n3A_53 = arith.select %eq3A_41, %get3A_13, %broadcast_in_dim3A_52 : vector<4x1024xi1>, vector<4x1024xf32>
      %reduce_sum3A_54 = arith.constant dense<0.000000e+00> : vector<4xf32>
      %reduce_sum3A_55 = vector.multi_reduction <add>, %select_n3A_53, %reduce_sum3A_54 [1] : vector<4x1024xf32> to vector<4xf32>
      %broadcast_in_dim3A_56 = vector.shape_cast %reduce_sum3A_55 : vector<4xf32> to vector<4x1xf32>
      %concatenate3A_57 = tpu.concatenate %broadcast_in_dim3A_44, %broadcast_in_dim3A_50, %broadcast_in_dim3A_56 in 1 : vector<4x1xf32>, vector<4x1xf32>, vector<4x1xf32> -> vector<4x3xf32>
      %broadcast_in_dim3A_58 = vector.shape_cast %concatenate3A_57 : vector<4x3xf32> to vector<1x4x3xf32>
      %swap3A_59 = arith.index_cast %scan3A_27 : i32 to index
      %swap3A_60 = arith.constant 0 : index
      %swap3A_61 = arith.constant 0 : index
      %swap3A_62 = vector.load %arg1[%swap3A_59, %swap3A_60, %swap3A_61] : memref<512x4x3xf32, #tpu.memory_space<vmem>>, vector<1x4x3xf32>
      tpu.vector_store %arg1[%swap3A_59, %swap3A_60, %swap3A_61], %broadcast_in_dim3A_58 {strides = array<i32>} : memref<512x4x3xf32, #tpu.memory_space<vmem>>, vector<1x4x3xf32>,
      scf.yield %min3A, %broadcast_in_dim3A_44, %broadcast_in_dim3A_50, %broadcast_in_dim3A_56 : vector<4x1024xf32>, vector<4x1xf32>, vector<4x1xf32>, vector<4x1xf32>
    }
    %scan3A_26 = arith.constant 511 : i32
    return
  }
}

module attributes {stable_mosaic.version = 14 : i64} {
  func.func @_bq_kernel(%arg0: i32, %arg1: i32, %arg2: memref<1x3x1024xf32, #tpu.memory_space<vmem>>, %arg3: memref<1x512x3xf32, #tpu.memory_space<vmem>>, %arg4: memref<1x512x32xi32, #tpu.memory_space<vmem>>) attributes {dimension_semantics = [#tpu.dimension_semantics<arbitrary>, #tpu.dimension_semantics<arbitrary>], iteration_bounds = array<i64: 4, 1>, scalar_prefetch = 0 : i64, scratch_operands = 0 : i64, tpu.core_type = #tpu.core_type<tc>, window_params = [{transform_indices = @transform_0, window_bounds = array<i64: 1, 3, 1024>}, {transform_indices = @transform_1, window_bounds = array<i64: 1, 512, 3>}, {transform_indices = @transform_2, window_bounds = array<i64: 1, 512, 32>}]} {
    %get3A = arith.constant 0 : index
    %get3A_0 = arith.constant 0 : index
    %get3A_1 = arith.constant 0 : index
    %get3A_2 = vector.load %arg2[%get3A, %get3A_0, %get3A_1] : memref<1x3x1024xf32, #tpu.memory_space<vmem>>, vector<1x1x1024xf32>
    %get3A_3 = vector.shape_cast %get3A_2 : vector<1x1x1024xf32> to vector<1x1024xf32>
    %get3A_4 = arith.constant 0 : index
    %get3A_5 = arith.constant 1 : index
    %get3A_6 = arith.constant 0 : index
    %get3A_7 = vector.load %arg2[%get3A_4, %get3A_5, %get3A_6] : memref<1x3x1024xf32, #tpu.memory_space<vmem>>, vector<1x1x1024xf32>
    %get3A_8 = vector.shape_cast %get3A_7 : vector<1x1x1024xf32> to vector<1x1024xf32>
    %get3A_9 = arith.constant 0 : index
    %get3A_10 = arith.constant 2 : index
    %get3A_11 = arith.constant 0 : index
    %get3A_12 = vector.load %arg2[%get3A_9, %get3A_10, %get3A_11] : memref<1x3x1024xf32, #tpu.memory_space<vmem>>, vector<1x1x1024xf32>
    %get3A_13 = vector.shape_cast %get3A_12 : vector<1x1x1024xf32> to vector<1x1024xf32>
    %get3A_14 = arith.constant 0 : index
    %get3A_15 = arith.constant 0 : index
    %get3A_16 = arith.constant 0 : index
    %get3A_17 = vector.load %arg3[%get3A_14, %get3A_15, %get3A_16] : memref<1x512x3xf32, #tpu.memory_space<vmem>>, vector<1x512x1xf32>
    %get3A_18 = vector.shape_cast %get3A_17 : vector<1x512x1xf32> to vector<512x1xf32>
    %get3A_19 = arith.constant 0 : index
    %get3A_20 = arith.constant 0 : index
    %get3A_21 = arith.constant 1 : index
    %get3A_22 = vector.load %arg3[%get3A_19, %get3A_20, %get3A_21] : memref<1x512x3xf32, #tpu.memory_space<vmem>>, vector<1x512x1xf32>
    %get3A_23 = vector.shape_cast %get3A_22 : vector<1x512x1xf32> to vector<512x1xf32>
    %get3A_24 = arith.constant 0 : index
    %get3A_25 = arith.constant 0 : index
    %get3A_26 = arith.constant 2 : index
    %get3A_27 = vector.load %arg3[%get3A_24, %get3A_25, %get3A_26] : memref<1x512x3xf32, #tpu.memory_space<vmem>>, vector<1x512x1xf32>
    %get3A_28 = vector.shape_cast %get3A_27 : vector<1x512x1xf32> to vector<512x1xf32>
    %sub3A = vector.broadcast %get3A_18 : vector<512x1xf32> to vector<512x1024xf32>
    %sub3A_29 = vector.broadcast %get3A_3 : vector<1x1024xf32> to vector<512x1024xf32>
    %sub3A_30 = arith.subf %sub3A, %sub3A_29 : vector<512x1024xf32>
    %integer_pow3A = arith.mulf %sub3A_30, %sub3A_30 : vector<512x1024xf32>
    %sub3A_31 = vector.broadcast %get3A_23 : vector<512x1xf32> to vector<512x1024xf32>
    %sub3A_32 = vector.broadcast %get3A_8 : vector<1x1024xf32> to vector<512x1024xf32>
    %sub3A_33 = arith.subf %sub3A_31, %sub3A_32 : vector<512x1024xf32>
    %integer_pow3A_34 = arith.mulf %sub3A_33, %sub3A_33 : vector<512x1024xf32>
    %add3A = arith.addf %integer_pow3A, %integer_pow3A_34 : vector<512x1024xf32>
    %sub3A_35 = vector.broadcast %get3A_28 : vector<512x1xf32> to vector<512x1024xf32>
    %sub3A_36 = vector.broadcast %get3A_13 : vector<1x1024xf32> to vector<512x1024xf32>
    %sub3A_37 = arith.subf %sub3A_35, %sub3A_36 : vector<512x1024xf32>
    %integer_pow3A_38 = arith.mulf %sub3A_37, %sub3A_37 : vector<512x1024xf32>
    %add3A_39 = arith.addf %add3A, %integer_pow3A_38 : vector<512x1024xf32>
    %iota3A = tpu.iota {dimensions = array<i32: 1>} : vector<512x1024xi32>
    %le3A = arith.constant 4.000000e-02 : f32
    %le3A_40 = vector.broadcast %le3A : f32 to vector<512x1024xf32>
    %le3A_41 = arith.cmpf ole, %add3A_39, %le3A_40 : vector<512x1024xf32>
    %jit3A = arith.constant 1024 : i32
    %broadcast_in_dim3A = vector.broadcast %jit3A : i32 to vector<512x1024xi32>
    %select_n3A = arith.select %le3A_41, %iota3A, %broadcast_in_dim3A : vector<512x1024xi1>, vector<512x1024xi32>
    %iota3A_42 = tpu.iota {dimensions = array<i32: 1>} : vector<512x32xi32>
    %broadcast_in_dim3A_43 = arith.constant 1024 : i32
    %broadcast_in_dim3A_44 = vector.broadcast %broadcast_in_dim3A_43 : i32 to vector<512x32xi32>
    %while3A = arith.constant 0 : i32
    %while3A_45 = arith.constant true
    %while3A_46:4 = scf.while (%while3A_66 = %while3A, %while3A_67 = %select_n3A, %while3A_68 = %broadcast_in_dim3A_44, %while3A_69 = %while3A_45) : (i32, vector<512x1024xi32>, vector<512x32xi32>, i1) -> (i32, vector<512x1024xi32>, vector<512x32xi32>, i1) {
      %lt3A_70 = arith.constant 32 : i32
      %lt3A_71 = arith.cmpi slt, %while3A_66, %lt3A_70 : i32
      %and3A = arith.andi %lt3A_71, %while3A_69 : i1
      scf.condition(%and3A) %while3A_66, %while3A_67, %while3A_68, %while3A_69 : i32, vector<512x1024xi32>, vector<512x32xi32>, i1
    } do {
    ^bb0(%while3A_66: i32, %while3A_67: vector<512x1024xi32>, %while3A_68: vector<512x32xi32>, %while3A_69: i1):
      %reduce_min3A = arith.constant dense<2147483647> : vector<512xi32>
      %reduce_min3A_70 = vector.multi_reduction <minsi>, %while3A_67, %reduce_min3A [1] : vector<512x1024xi32> to vector<512xi32>
      %broadcast_in_dim3A_71 = vector.shape_cast %reduce_min3A_70 : vector<512xi32> to vector<512x1xi32>
      %eq3A = vector.broadcast %while3A_66 : i32 to vector<512x32xi32>
      %eq3A_72 = arith.cmpi eq, %iota3A_42, %eq3A : vector<512x32xi32>
      %broadcast_in_dim3A_73 = vector.shape_cast %broadcast_in_dim3A_71 : vector<512x1xi32> to vector<512x1xi32>
      %broadcast_in_dim3A_74 = vector.broadcast %broadcast_in_dim3A_73 : vector<512x1xi32> to vector<512x32xi32>
      %select_n3A_75 = arith.select %eq3A_72, %broadcast_in_dim3A_74, %while3A_68 : vector<512x32xi1>, vector<512x32xi32>
      %eq3A_76 = vector.broadcast %broadcast_in_dim3A_71 : vector<512x1xi32> to vector<512x1024xi32>
      %eq3A_77 = arith.cmpi eq, %while3A_67, %eq3A_76 : vector<512x1024xi32>
      %jit3A_78 = arith.constant 1024 : i32
      %broadcast_in_dim3A_79 = vector.broadcast %jit3A_78 : i32 to vector<512x1024xi32>
      %select_n3A_80 = arith.select %eq3A_77, %broadcast_in_dim3A_79, %while3A_67 : vector<512x1024xi1>, vector<512x1024xi32>
      %add3A_81 = arith.constant 1 : i32
      %add3A_82 = arith.addi %while3A_66, %add3A_81 : i32
      %reduce_min3A_83 = vector.shape_cast %broadcast_in_dim3A_71 : vector<512x1xi32> to vector<1x512x1xi32>
      %reduce_min3A_84 = arith.constant dense<2147483647> : vector<1xi32>
      %reduce_min3A_85 = vector.multi_reduction <minsi>, %reduce_min3A_83, %reduce_min3A_84 [1, 2] : vector<1x512x1xi32> to vector<1xi32>
      %reduce_min3A_86 = vector.shape_cast %reduce_min3A_85 : vector<1xi32> to vector<1x1x1xi32>
      %reduce_min3A_87 = vector.extract %reduce_min3A_86[0, 0, 0] : i32 from vector<1x1x1xi32>
      %lt3A_88 = arith.constant 1024 : i32
      %lt3A_89 = arith.cmpi slt, %reduce_min3A_87, %lt3A_88 : i32
      scf.yield %add3A_82, %select_n3A_80, %select_n3A_75, %lt3A_89 : i32, vector<512x1024xi32>, vector<512x32xi32>, i1
    }
    %slice3A = vector.extract_strided_slice %while3A_46#2 {offsets = [0, 0], sizes = [512, 1], strides = [1, 1]} : vector<512x32xi32> to vector<512x1xi32>
    %lt3A = arith.constant 1024 : i32
    %lt3A_47 = vector.broadcast %lt3A : i32 to vector<512x1xi32>
    %lt3A_48 = arith.cmpi slt, %slice3A, %lt3A_47 : vector<512x1xi32>
    %jit3A_49 = arith.constant 0 : i32
    %broadcast_in_dim3A_50 = vector.broadcast %jit3A_49 : i32 to vector<512x1xi32>
    %select_n3A_51 = arith.select %lt3A_48, %slice3A, %broadcast_in_dim3A_50 : vector<512x1xi1>, vector<512x1xi32>
    %lt3A_52 = arith.constant 1024 : i32
    %lt3A_53 = vector.broadcast %lt3A_52 : i32 to vector<512x32xi32>
    %lt3A_54 = arith.cmpi slt, %while3A_46#2, %lt3A_53 : vector<512x32xi32>
    %broadcast_in_dim3A_55 = vector.shape_cast %select_n3A_51 : vector<512x1xi32> to vector<512x1xi32>
    %broadcast_in_dim3A_56 = vector.broadcast %broadcast_in_dim3A_55 : vector<512x1xi32> to vector<512x32xi32>
    %select_n3A_57 = arith.select %lt3A_54, %while3A_46#2, %broadcast_in_dim3A_56 : vector<512x32xi1>, vector<512x32xi32>
    %mul3A = arith.constant 1024 : i32
    %mul3A_58 = arith.muli %arg0, %mul3A : i32
    %add3A_59 = vector.broadcast %mul3A_58 : i32 to vector<512x32xi32>
    %add3A_60 = arith.addi %select_n3A_57, %add3A_59 : vector<512x32xi32>
    %swap3A = arith.constant 0 : index
    %swap3A_61 = arith.constant 0 : index
    %swap3A_62 = arith.constant 0 : index
    %swap3A_63 = vector.load %arg4[%swap3A, %swap3A_61, %swap3A_62] : memref<1x512x32xi32, #tpu.memory_space<vmem>>, vector<1x512x32xi32>
    %swap3A_64 = vector.shape_cast %swap3A_63 : vector<1x512x32xi32> to vector<512x32xi32>
    %swap3A_65 = vector.shape_cast %add3A_60 : vector<512x32xi32> to vector<1x512x32xi32>
    tpu.vector_store %arg4[%swap3A, %swap3A_61, %swap3A_62], %swap3A_65 {strides = array<i32>} : memref<1x512x32xi32, #tpu.memory_space<vmem>>, vector<1x512x32xi32>,
    return
  }
  func.func @transform_0(%arg0: i32, %arg1: i32) -> (i32, i32, i32) {
    %c0_i32 = arith.constant 0 : i32
    %c0_i32_0 = arith.constant 0 : i32
    %c0_i32_1 = arith.constant 0 : i32
    return %arg0, %c0_i32, %c0_i32_0 : i32, i32, i32
  }
  func.func @transform_1(%arg0: i32, %arg1: i32) -> (i32, i32, i32) {
    %c0_i32 = arith.constant 0 : i32
    %c0_i32_0 = arith.constant 0 : i32
    return %arg0, %arg1, %c0_i32 : i32, i32, i32
  }
  func.func @transform_2(%arg0: i32, %arg1: i32) -> (i32, i32, i32) {
    %c0_i32 = arith.constant 0 : i32
    %c0_i32_0 = arith.constant 0 : i32
    return %arg0, %arg1, %c0_i32 : i32, i32, i32
  }
}

module attributes {stable_mosaic.version = 14 : i64} {
  func.func @_mlp_kernel(%arg0: i32, %arg1: memref<16384x16xf32, #tpu.memory_space<vmem>>, %arg2: memref<512x3xf32, #tpu.memory_space<vmem>>, %arg3: memref<3x32xf32, #tpu.memory_space<vmem>>, %arg4: memref<1x32xf32, #tpu.memory_space<vmem>>, %arg5: memref<32x32xf32, #tpu.memory_space<vmem>>, %arg6: memref<1x32xf32, #tpu.memory_space<vmem>>, %arg7: memref<512x32xf32, #tpu.memory_space<vmem>>) attributes {dimension_semantics = [#tpu.dimension_semantics<arbitrary>], iteration_bounds = array<i64: 8>, scalar_prefetch = 0 : i64, scratch_operands = 0 : i64, tpu.core_type = #tpu.core_type<tc>, window_params = [{transform_indices = @transform_0, window_bounds = array<i64: 16384, 16>}, {transform_indices = @transform_1, window_bounds = array<i64: 512, 3>}, {pipeline_mode = #tpu.pipeline_mode<synchronous>, transform_indices = @transform_2, window_bounds = array<i64: 3, 32>}, {pipeline_mode = #tpu.pipeline_mode<synchronous>, transform_indices = @transform_3, window_bounds = array<i64: 1, 32>}, {pipeline_mode = #tpu.pipeline_mode<synchronous>, transform_indices = @transform_4, window_bounds = array<i64: 32, 32>}, {pipeline_mode = #tpu.pipeline_mode<synchronous>, transform_indices = @transform_5, window_bounds = array<i64: 1, 32>}, {transform_indices = @transform_6, window_bounds = array<i64: 512, 32>}]} {
    %get3A = arith.constant 0 : index
    %get3A_0 = arith.constant 0 : index
    %get3A_1 = vector.load %arg1[%get3A, %get3A_0] : memref<16384x16xf32, #tpu.memory_space<vmem>>, vector<16384x3xf32>
    %get3A_2 = arith.constant 0 : index
    %get3A_3 = arith.constant 0 : index
    %get3A_4 = vector.load %arg2[%get3A_2, %get3A_3] : memref<512x3xf32, #tpu.memory_space<vmem>>, vector<512x3xf32>
    %reshape3A = vector.shape_cast %get3A_1 : vector<16384x3xf32> to vector<512x32x3xf32>
    %broadcast_in_dim3A = vector.shape_cast %get3A_4 : vector<512x3xf32> to vector<512x1x3xf32>
    %sub3A = vector.broadcast %broadcast_in_dim3A : vector<512x1x3xf32> to vector<512x32x3xf32>
    %sub3A_5 = arith.subf %reshape3A, %sub3A : vector<512x32x3xf32>
    %reshape3A_6 = vector.shape_cast %sub3A_5 : vector<512x32x3xf32> to vector<16384x3xf32>
    %get3A_7 = arith.constant 0 : index
    %get3A_8 = arith.constant 0 : index
    %get3A_9 = vector.load %arg3[%get3A_7, %get3A_8] : memref<3x32xf32, #tpu.memory_space<vmem>>, vector<3x32xf32>
    %get3A_10 = arith.constant 0 : index
    %get3A_11 = arith.constant 0 : index
    %get3A_12 = vector.load %arg4[%get3A_10, %get3A_11] : memref<1x32xf32, #tpu.memory_space<vmem>>, vector<1x32xf32>
    %dot_general3A = arith.constant dense<0.000000e+00> : vector<16384x32xf32>
    %dot_general3A_13 = tpu.matmul %reshape3A_6, %get3A_9, %dot_general3A {dimension_numbers = #tpu.dot_dimension_numbers<[1], [0], [0], [1], [0, 0, 1, 1], [], []>, transpose_lhs_hint = false} : vector<16384x3xf32>, vector<3x32xf32>, vector<16384x32xf32> -> vector<16384x32xf32>
    %add3A = vector.broadcast %get3A_12 : vector<1x32xf32> to vector<16384x32xf32>
    %add3A_14 = arith.addf %dot_general3A_13, %add3A : vector<16384x32xf32>
    %max3A = arith.constant 0.000000e+00 : f32
    %max3A_15 = vector.broadcast %max3A : f32 to vector<16384x32xf32>
    %max3A_16 = arith.maximumf %add3A_14, %max3A_15 : vector<16384x32xf32>
    %get3A_17 = arith.constant 0 : index
    %get3A_18 = arith.constant 0 : index
    %get3A_19 = vector.load %arg5[%get3A_17, %get3A_18] : memref<32x32xf32, #tpu.memory_space<vmem>>, vector<32x32xf32>
    %get3A_20 = arith.constant 0 : index
    %get3A_21 = arith.constant 0 : index
    %get3A_22 = vector.load %arg6[%get3A_20, %get3A_21] : memref<1x32xf32, #tpu.memory_space<vmem>>, vector<1x32xf32>
    %dot_general3A_23 = arith.constant dense<0.000000e+00> : vector<16384x32xf32>
    %dot_general3A_24 = tpu.matmul %max3A_16, %get3A_19, %dot_general3A_23 {dimension_numbers = #tpu.dot_dimension_numbers<[1], [0], [0], [1], [0, 0, 1, 1], [], []>, transpose_lhs_hint = false} : vector<16384x32xf32>, vector<32x32xf32>, vector<16384x32xf32> -> vector<16384x32xf32>
    %add3A_25 = vector.broadcast %get3A_22 : vector<1x32xf32> to vector<16384x32xf32>
    %add3A_26 = arith.addf %dot_general3A_24, %add3A_25 : vector<16384x32xf32>
    %max3A_27 = arith.constant 0.000000e+00 : f32
    %max3A_28 = vector.broadcast %max3A_27 : f32 to vector<16384x32xf32>
    %max3A_29 = arith.maximumf %add3A_26, %max3A_28 : vector<16384x32xf32>
    %reshape3A_30 = vector.shape_cast %max3A_29 : vector<16384x32xf32> to vector<512x32x32xf32>
    %reduce_max3A = arith.constant dense<0xFF800000> : vector<512x32xf32>
    %reduce_max3A_31 = vector.multi_reduction <maximumf>, %reshape3A_30, %reduce_max3A [1] : vector<512x32x32xf32> to vector<512x32xf32>
    %swap3A = arith.constant 0 : index
    %swap3A_32 = arith.constant 0 : index
    %swap3A_33 = vector.load %arg7[%swap3A, %swap3A_32] : memref<512x32xf32, #tpu.memory_space<vmem>>, vector<512x32xf32>
    tpu.vector_store %arg7[%swap3A, %swap3A_32], %reduce_max3A_31 {strides = array<i32>} : memref<512x32xf32, #tpu.memory_space<vmem>>, vector<512x32xf32>,
    return
  }
  func.func @transform_0(%arg0: i32) -> (i32, i32) {
    %c0_i32 = arith.constant 0 : i32
    %c0_i32_0 = arith.constant 0 : i32
    return %arg0, %c0_i32 : i32, i32
  }
  func.func @transform_1(%arg0: i32) -> (i32, i32) {
    %c0_i32 = arith.constant 0 : i32
    %c0_i32_0 = arith.constant 0 : i32
    return %arg0, %c0_i32 : i32, i32
  }
  func.func @transform_2(%arg0: i32) -> (i32, i32) {
    %c0_i32 = arith.constant 0 : i32
    %c0_i32_0 = arith.constant 0 : i32
    %c0_i32_1 = arith.constant 0 : i32
    return %c0_i32, %c0_i32_0 : i32, i32
  }
  func.func @transform_3(%arg0: i32) -> (i32, i32) {
    %c0_i32 = arith.constant 0 : i32
    %c0_i32_0 = arith.constant 0 : i32
    %c0_i32_1 = arith.constant 0 : i32
    return %c0_i32, %c0_i32_0 : i32, i32
  }
  func.func @transform_4(%arg0: i32) -> (i32, i32) {
    %c0_i32 = arith.constant 0 : i32
    %c0_i32_0 = arith.constant 0 : i32
    %c0_i32_1 = arith.constant 0 : i32
    return %c0_i32, %c0_i32_0 : i32, i32
  }
  func.func @transform_5(%arg0: i32) -> (i32, i32) {
    %c0_i32 = arith.constant 0 : i32
    %c0_i32_0 = arith.constant 0 : i32
    %c0_i32_1 = arith.constant 0 : i32
    return %c0_i32, %c0_i32_0 : i32, i32
  }
  func.func @transform_6(%arg0: i32) -> (i32, i32) {
    %c0_i32 = arith.constant 0 : i32
    %c0_i32_0 = arith.constant 0 : i32
    return %arg0, %c0_i32 : i32, i32
  }
}

module attributes {stable_mosaic.version = 14 : i64} {
  func.func @_fps_kernel(%arg0: memref<3x4x512xf32, #tpu.memory_space<vmem>>, %arg1: memref<256x4x3xf32, #tpu.memory_space<vmem>>) attributes {dimension_semantics = [], scalar_prefetch = 0 : i64, scratch_operands = 0 : i64, tpu.core_type = #tpu.core_type<tc>} {
    %get3A = arith.constant 0 : index
    %get3A_0 = arith.constant 0 : index
    %get3A_1 = arith.constant 0 : index
    %get3A_2 = vector.load %arg0[%get3A, %get3A_0, %get3A_1] : memref<3x4x512xf32, #tpu.memory_space<vmem>>, vector<1x4x512xf32>
    %get3A_3 = vector.shape_cast %get3A_2 : vector<1x4x512xf32> to vector<4x512xf32>
    %get3A_4 = arith.constant 1 : index
    %get3A_5 = arith.constant 0 : index
    %get3A_6 = arith.constant 0 : index
    %get3A_7 = vector.load %arg0[%get3A_4, %get3A_5, %get3A_6] : memref<3x4x512xf32, #tpu.memory_space<vmem>>, vector<1x4x512xf32>
    %get3A_8 = vector.shape_cast %get3A_7 : vector<1x4x512xf32> to vector<4x512xf32>
    %get3A_9 = arith.constant 2 : index
    %get3A_10 = arith.constant 0 : index
    %get3A_11 = arith.constant 0 : index
    %get3A_12 = vector.load %arg0[%get3A_9, %get3A_10, %get3A_11] : memref<3x4x512xf32, #tpu.memory_space<vmem>>, vector<1x4x512xf32>
    %get3A_13 = vector.shape_cast %get3A_12 : vector<1x4x512xf32> to vector<4x512xf32>
    %iota3A = tpu.iota {dimensions = array<i32: 1>} : vector<4x512xi32>
    %slice3A = vector.extract_strided_slice %get3A_3 {offsets = [0, 0], sizes = [4, 1], strides = [1, 1]} : vector<4x512xf32> to vector<4x1xf32>
    %slice3A_14 = vector.extract_strided_slice %get3A_8 {offsets = [0, 0], sizes = [4, 1], strides = [1, 1]} : vector<4x512xf32> to vector<4x1xf32>
    %slice3A_15 = vector.extract_strided_slice %get3A_13 {offsets = [0, 0], sizes = [4, 1], strides = [1, 1]} : vector<4x512xf32> to vector<4x1xf32>
    %concatenate3A = tpu.concatenate %slice3A, %slice3A_14, %slice3A_15 in 1 : vector<4x1xf32>, vector<4x1xf32>, vector<4x1xf32> -> vector<4x3xf32>
    %swap3A = arith.constant 0 : index
    %swap3A_16 = arith.constant 0 : index
    %swap3A_17 = arith.constant 0 : index
    %swap3A_18 = vector.load %arg1[%swap3A, %swap3A_16, %swap3A_17] : memref<256x4x3xf32, #tpu.memory_space<vmem>>, vector<1x4x3xf32>
    %swap3A_19 = vector.shape_cast %swap3A_18 : vector<1x4x3xf32> to vector<4x3xf32>
    %swap3A_20 = vector.shape_cast %concatenate3A : vector<4x3xf32> to vector<1x4x3xf32>
    tpu.vector_store %arg1[%swap3A, %swap3A_16, %swap3A_17], %swap3A_20 {strides = array<i32>} : memref<256x4x3xf32, #tpu.memory_space<vmem>>, vector<1x4x3xf32>,
    %broadcast_in_dim3A = arith.constant 1.000000e+10 : f32
    %broadcast_in_dim3A_21 = vector.broadcast %broadcast_in_dim3A : f32 to vector<4x512xf32>
    %scan3A = arith.constant 1 : i32
    %scan3A_22 = arith.constant 255 : i32
    %scan3A_23 = arith.addi %scan3A, %scan3A_22 : i32
    %scan3A_24 = arith.constant 1 : i32
    %scan3A_25:4 = scf.for %scan3A_27 = %scan3A to %scan3A_23 step %scan3A_24 iter_args(%scan3A_28 = %broadcast_in_dim3A_21, %scan3A_29 = %slice3A, %scan3A_30 = %slice3A_14, %scan3A_31 = %slice3A_15) -> (vector<4x512xf32>, vector<4x1xf32>, vector<4x1xf32>, vector<4x1xf32>)  : i32 {
      %sub3A = vector.broadcast %scan3A_29 : vector<4x1xf32> to vector<4x512xf32>
      %sub3A_32 = arith.subf %get3A_3, %sub3A : vector<4x512xf32>
      %integer_pow3A = arith.mulf %sub3A_32, %sub3A_32 : vector<4x512xf32>
      %sub3A_33 = vector.broadcast %scan3A_30 : vector<4x1xf32> to vector<4x512xf32>
      %sub3A_34 = arith.subf %get3A_8, %sub3A_33 : vector<4x512xf32>
      %integer_pow3A_35 = arith.mulf %sub3A_34, %sub3A_34 : vector<4x512xf32>
      %add3A = arith.addf %integer_pow3A, %integer_pow3A_35 : vector<4x512xf32>
      %sub3A_36 = vector.broadcast %scan3A_31 : vector<4x1xf32> to vector<4x512xf32>
      %sub3A_37 = arith.subf %get3A_13, %sub3A_36 : vector<4x512xf32>
      %integer_pow3A_38 = arith.mulf %sub3A_37, %sub3A_37 : vector<4x512xf32>
      %add3A_39 = arith.addf %add3A, %integer_pow3A_38 : vector<4x512xf32>
      %min3A = arith.minimumf %scan3A_28, %add3A_39 : vector<4x512xf32>
      %argmax3A = tpu.reduce_index %min3A {axis = 1 : i32, kind = #tpu.reduction_kind<arg_max>} : vector<4x512xf32> -> vector<4xi32>
      %broadcast_in_dim3A_40 = vector.shape_cast %argmax3A : vector<4xi32> to vector<4x1xi32>
      %eq3A = vector.broadcast %broadcast_in_dim3A_40 : vector<4x1xi32> to vector<4x512xi32>
      %eq3A_41 = arith.cmpi eq, %iota3A, %eq3A : vector<4x512xi32>
      %jit3A = arith.constant 0.000000e+00 : f32
      %broadcast_in_dim3A_42 = vector.broadcast %jit3A : f32 to vector<4x512xf32>
      %select_n3A = arith.select %eq3A_41, %get3A_3, %broadcast_in_dim3A_42 : vector<4x512xi1>, vector<4x512xf32>
      %reduce_sum3A = arith.constant dense<0.000000e+00> : vector<4xf32>
      %reduce_sum3A_43 = vector.multi_reduction <add>, %select_n3A, %reduce_sum3A [1] : vector<4x512xf32> to vector<4xf32>
      %broadcast_in_dim3A_44 = vector.shape_cast %reduce_sum3A_43 : vector<4xf32> to vector<4x1xf32>
      %jit3A_45 = arith.constant 0.000000e+00 : f32
      %broadcast_in_dim3A_46 = vector.broadcast %jit3A_45 : f32 to vector<4x512xf32>
      %select_n3A_47 = arith.select %eq3A_41, %get3A_8, %broadcast_in_dim3A_46 : vector<4x512xi1>, vector<4x512xf32>
      %reduce_sum3A_48 = arith.constant dense<0.000000e+00> : vector<4xf32>
      %reduce_sum3A_49 = vector.multi_reduction <add>, %select_n3A_47, %reduce_sum3A_48 [1] : vector<4x512xf32> to vector<4xf32>
      %broadcast_in_dim3A_50 = vector.shape_cast %reduce_sum3A_49 : vector<4xf32> to vector<4x1xf32>
      %jit3A_51 = arith.constant 0.000000e+00 : f32
      %broadcast_in_dim3A_52 = vector.broadcast %jit3A_51 : f32 to vector<4x512xf32>
      %select_n3A_53 = arith.select %eq3A_41, %get3A_13, %broadcast_in_dim3A_52 : vector<4x512xi1>, vector<4x512xf32>
      %reduce_sum3A_54 = arith.constant dense<0.000000e+00> : vector<4xf32>
      %reduce_sum3A_55 = vector.multi_reduction <add>, %select_n3A_53, %reduce_sum3A_54 [1] : vector<4x512xf32> to vector<4xf32>
      %broadcast_in_dim3A_56 = vector.shape_cast %reduce_sum3A_55 : vector<4xf32> to vector<4x1xf32>
      %concatenate3A_57 = tpu.concatenate %broadcast_in_dim3A_44, %broadcast_in_dim3A_50, %broadcast_in_dim3A_56 in 1 : vector<4x1xf32>, vector<4x1xf32>, vector<4x1xf32> -> vector<4x3xf32>
      %broadcast_in_dim3A_58 = vector.shape_cast %concatenate3A_57 : vector<4x3xf32> to vector<1x4x3xf32>
      %swap3A_59 = arith.index_cast %scan3A_27 : i32 to index
      %swap3A_60 = arith.constant 0 : index
      %swap3A_61 = arith.constant 0 : index
      %swap3A_62 = vector.load %arg1[%swap3A_59, %swap3A_60, %swap3A_61] : memref<256x4x3xf32, #tpu.memory_space<vmem>>, vector<1x4x3xf32>
      tpu.vector_store %arg1[%swap3A_59, %swap3A_60, %swap3A_61], %broadcast_in_dim3A_58 {strides = array<i32>} : memref<256x4x3xf32, #tpu.memory_space<vmem>>, vector<1x4x3xf32>,
      scf.yield %min3A, %broadcast_in_dim3A_44, %broadcast_in_dim3A_50, %broadcast_in_dim3A_56 : vector<4x512xf32>, vector<4x1xf32>, vector<4x1xf32>, vector<4x1xf32>
    }
    %scan3A_26 = arith.constant 255 : i32
    return
  }
}

module attributes {stable_mosaic.version = 14 : i64} {
  func.func @_bq_kernel(%arg0: i32, %arg1: i32, %arg2: memref<1x3x512xf32, #tpu.memory_space<vmem>>, %arg3: memref<1x256x3xf32, #tpu.memory_space<vmem>>, %arg4: memref<1x256x16xi32, #tpu.memory_space<vmem>>) attributes {dimension_semantics = [#tpu.dimension_semantics<arbitrary>, #tpu.dimension_semantics<arbitrary>], iteration_bounds = array<i64: 4, 1>, scalar_prefetch = 0 : i64, scratch_operands = 0 : i64, tpu.core_type = #tpu.core_type<tc>, window_params = [{transform_indices = @transform_0, window_bounds = array<i64: 1, 3, 512>}, {transform_indices = @transform_1, window_bounds = array<i64: 1, 256, 3>}, {transform_indices = @transform_2, window_bounds = array<i64: 1, 256, 16>}]} {
    %get3A = arith.constant 0 : index
    %get3A_0 = arith.constant 0 : index
    %get3A_1 = arith.constant 0 : index
    %get3A_2 = vector.load %arg2[%get3A, %get3A_0, %get3A_1] : memref<1x3x512xf32, #tpu.memory_space<vmem>>, vector<1x1x512xf32>
    %get3A_3 = vector.shape_cast %get3A_2 : vector<1x1x512xf32> to vector<1x512xf32>
    %get3A_4 = arith.constant 0 : index
    %get3A_5 = arith.constant 1 : index
    %get3A_6 = arith.constant 0 : index
    %get3A_7 = vector.load %arg2[%get3A_4, %get3A_5, %get3A_6] : memref<1x3x512xf32, #tpu.memory_space<vmem>>, vector<1x1x512xf32>
    %get3A_8 = vector.shape_cast %get3A_7 : vector<1x1x512xf32> to vector<1x512xf32>
    %get3A_9 = arith.constant 0 : index
    %get3A_10 = arith.constant 2 : index
    %get3A_11 = arith.constant 0 : index
    %get3A_12 = vector.load %arg2[%get3A_9, %get3A_10, %get3A_11] : memref<1x3x512xf32, #tpu.memory_space<vmem>>, vector<1x1x512xf32>
    %get3A_13 = vector.shape_cast %get3A_12 : vector<1x1x512xf32> to vector<1x512xf32>
    %get3A_14 = arith.constant 0 : index
    %get3A_15 = arith.constant 0 : index
    %get3A_16 = arith.constant 0 : index
    %get3A_17 = vector.load %arg3[%get3A_14, %get3A_15, %get3A_16] : memref<1x256x3xf32, #tpu.memory_space<vmem>>, vector<1x256x1xf32>
    %get3A_18 = vector.shape_cast %get3A_17 : vector<1x256x1xf32> to vector<256x1xf32>
    %get3A_19 = arith.constant 0 : index
    %get3A_20 = arith.constant 0 : index
    %get3A_21 = arith.constant 1 : index
    %get3A_22 = vector.load %arg3[%get3A_19, %get3A_20, %get3A_21] : memref<1x256x3xf32, #tpu.memory_space<vmem>>, vector<1x256x1xf32>
    %get3A_23 = vector.shape_cast %get3A_22 : vector<1x256x1xf32> to vector<256x1xf32>
    %get3A_24 = arith.constant 0 : index
    %get3A_25 = arith.constant 0 : index
    %get3A_26 = arith.constant 2 : index
    %get3A_27 = vector.load %arg3[%get3A_24, %get3A_25, %get3A_26] : memref<1x256x3xf32, #tpu.memory_space<vmem>>, vector<1x256x1xf32>
    %get3A_28 = vector.shape_cast %get3A_27 : vector<1x256x1xf32> to vector<256x1xf32>
    %sub3A = vector.broadcast %get3A_18 : vector<256x1xf32> to vector<256x512xf32>
    %sub3A_29 = vector.broadcast %get3A_3 : vector<1x512xf32> to vector<256x512xf32>
    %sub3A_30 = arith.subf %sub3A, %sub3A_29 : vector<256x512xf32>
    %integer_pow3A = arith.mulf %sub3A_30, %sub3A_30 : vector<256x512xf32>
    %sub3A_31 = vector.broadcast %get3A_23 : vector<256x1xf32> to vector<256x512xf32>
    %sub3A_32 = vector.broadcast %get3A_8 : vector<1x512xf32> to vector<256x512xf32>
    %sub3A_33 = arith.subf %sub3A_31, %sub3A_32 : vector<256x512xf32>
    %integer_pow3A_34 = arith.mulf %sub3A_33, %sub3A_33 : vector<256x512xf32>
    %add3A = arith.addf %integer_pow3A, %integer_pow3A_34 : vector<256x512xf32>
    %sub3A_35 = vector.broadcast %get3A_28 : vector<256x1xf32> to vector<256x512xf32>
    %sub3A_36 = vector.broadcast %get3A_13 : vector<1x512xf32> to vector<256x512xf32>
    %sub3A_37 = arith.subf %sub3A_35, %sub3A_36 : vector<256x512xf32>
    %integer_pow3A_38 = arith.mulf %sub3A_37, %sub3A_37 : vector<256x512xf32>
    %add3A_39 = arith.addf %add3A, %integer_pow3A_38 : vector<256x512xf32>
    %iota3A = tpu.iota {dimensions = array<i32: 1>} : vector<256x512xi32>
    %le3A = arith.constant 1.600000e-01 : f32
    %le3A_40 = vector.broadcast %le3A : f32 to vector<256x512xf32>
    %le3A_41 = arith.cmpf ole, %add3A_39, %le3A_40 : vector<256x512xf32>
    %jit3A = arith.constant 512 : i32
    %broadcast_in_dim3A = vector.broadcast %jit3A : i32 to vector<256x512xi32>
    %select_n3A = arith.select %le3A_41, %iota3A, %broadcast_in_dim3A : vector<256x512xi1>, vector<256x512xi32>
    %iota3A_42 = tpu.iota {dimensions = array<i32: 1>} : vector<256x16xi32>
    %broadcast_in_dim3A_43 = arith.constant 512 : i32
    %broadcast_in_dim3A_44 = vector.broadcast %broadcast_in_dim3A_43 : i32 to vector<256x16xi32>
    %while3A = arith.constant 0 : i32
    %while3A_45 = arith.constant true
    %while3A_46:4 = scf.while (%while3A_66 = %while3A, %while3A_67 = %select_n3A, %while3A_68 = %broadcast_in_dim3A_44, %while3A_69 = %while3A_45) : (i32, vector<256x512xi32>, vector<256x16xi32>, i1) -> (i32, vector<256x512xi32>, vector<256x16xi32>, i1) {
      %lt3A_70 = arith.constant 16 : i32
      %lt3A_71 = arith.cmpi slt, %while3A_66, %lt3A_70 : i32
      %and3A = arith.andi %lt3A_71, %while3A_69 : i1
      scf.condition(%and3A) %while3A_66, %while3A_67, %while3A_68, %while3A_69 : i32, vector<256x512xi32>, vector<256x16xi32>, i1
    } do {
    ^bb0(%while3A_66: i32, %while3A_67: vector<256x512xi32>, %while3A_68: vector<256x16xi32>, %while3A_69: i1):
      %reduce_min3A = arith.constant dense<2147483647> : vector<256xi32>
      %reduce_min3A_70 = vector.multi_reduction <minsi>, %while3A_67, %reduce_min3A [1] : vector<256x512xi32> to vector<256xi32>
      %broadcast_in_dim3A_71 = vector.shape_cast %reduce_min3A_70 : vector<256xi32> to vector<256x1xi32>
      %eq3A = vector.broadcast %while3A_66 : i32 to vector<256x16xi32>
      %eq3A_72 = arith.cmpi eq, %iota3A_42, %eq3A : vector<256x16xi32>
      %broadcast_in_dim3A_73 = vector.shape_cast %broadcast_in_dim3A_71 : vector<256x1xi32> to vector<256x1xi32>
      %broadcast_in_dim3A_74 = vector.broadcast %broadcast_in_dim3A_73 : vector<256x1xi32> to vector<256x16xi32>
      %select_n3A_75 = arith.select %eq3A_72, %broadcast_in_dim3A_74, %while3A_68 : vector<256x16xi1>, vector<256x16xi32>
      %eq3A_76 = vector.broadcast %broadcast_in_dim3A_71 : vector<256x1xi32> to vector<256x512xi32>
      %eq3A_77 = arith.cmpi eq, %while3A_67, %eq3A_76 : vector<256x512xi32>
      %jit3A_78 = arith.constant 512 : i32
      %broadcast_in_dim3A_79 = vector.broadcast %jit3A_78 : i32 to vector<256x512xi32>
      %select_n3A_80 = arith.select %eq3A_77, %broadcast_in_dim3A_79, %while3A_67 : vector<256x512xi1>, vector<256x512xi32>
      %add3A_81 = arith.constant 1 : i32
      %add3A_82 = arith.addi %while3A_66, %add3A_81 : i32
      %reduce_min3A_83 = vector.shape_cast %broadcast_in_dim3A_71 : vector<256x1xi32> to vector<1x256x1xi32>
      %reduce_min3A_84 = arith.constant dense<2147483647> : vector<1xi32>
      %reduce_min3A_85 = vector.multi_reduction <minsi>, %reduce_min3A_83, %reduce_min3A_84 [1, 2] : vector<1x256x1xi32> to vector<1xi32>
      %reduce_min3A_86 = vector.shape_cast %reduce_min3A_85 : vector<1xi32> to vector<1x1x1xi32>
      %reduce_min3A_87 = vector.extract %reduce_min3A_86[0, 0, 0] : i32 from vector<1x1x1xi32>
      %lt3A_88 = arith.constant 512 : i32
      %lt3A_89 = arith.cmpi slt, %reduce_min3A_87, %lt3A_88 : i32
      scf.yield %add3A_82, %select_n3A_80, %select_n3A_75, %lt3A_89 : i32, vector<256x512xi32>, vector<256x16xi32>, i1
    }
    %slice3A = vector.extract_strided_slice %while3A_46#2 {offsets = [0, 0], sizes = [256, 1], strides = [1, 1]} : vector<256x16xi32> to vector<256x1xi32>
    %lt3A = arith.constant 512 : i32
    %lt3A_47 = vector.broadcast %lt3A : i32 to vector<256x1xi32>
    %lt3A_48 = arith.cmpi slt, %slice3A, %lt3A_47 : vector<256x1xi32>
    %jit3A_49 = arith.constant 0 : i32
    %broadcast_in_dim3A_50 = vector.broadcast %jit3A_49 : i32 to vector<256x1xi32>
    %select_n3A_51 = arith.select %lt3A_48, %slice3A, %broadcast_in_dim3A_50 : vector<256x1xi1>, vector<256x1xi32>
    %lt3A_52 = arith.constant 512 : i32
    %lt3A_53 = vector.broadcast %lt3A_52 : i32 to vector<256x16xi32>
    %lt3A_54 = arith.cmpi slt, %while3A_46#2, %lt3A_53 : vector<256x16xi32>
    %broadcast_in_dim3A_55 = vector.shape_cast %select_n3A_51 : vector<256x1xi32> to vector<256x1xi32>
    %broadcast_in_dim3A_56 = vector.broadcast %broadcast_in_dim3A_55 : vector<256x1xi32> to vector<256x16xi32>
    %select_n3A_57 = arith.select %lt3A_54, %while3A_46#2, %broadcast_in_dim3A_56 : vector<256x16xi1>, vector<256x16xi32>
    %mul3A = arith.constant 512 : i32
    %mul3A_58 = arith.muli %arg0, %mul3A : i32
    %add3A_59 = vector.broadcast %mul3A_58 : i32 to vector<256x16xi32>
    %add3A_60 = arith.addi %select_n3A_57, %add3A_59 : vector<256x16xi32>
    %swap3A = arith.constant 0 : index
    %swap3A_61 = arith.constant 0 : index
    %swap3A_62 = arith.constant 0 : index
    %swap3A_63 = vector.load %arg4[%swap3A, %swap3A_61, %swap3A_62] : memref<1x256x16xi32, #tpu.memory_space<vmem>>, vector<1x256x16xi32>
    %swap3A_64 = vector.shape_cast %swap3A_63 : vector<1x256x16xi32> to vector<256x16xi32>
    %swap3A_65 = vector.shape_cast %add3A_60 : vector<256x16xi32> to vector<1x256x16xi32>
    tpu.vector_store %arg4[%swap3A, %swap3A_61, %swap3A_62], %swap3A_65 {strides = array<i32>} : memref<1x256x16xi32, #tpu.memory_space<vmem>>, vector<1x256x16xi32>,
    return
  }
  func.func @transform_0(%arg0: i32, %arg1: i32) -> (i32, i32, i32) {
    %c0_i32 = arith.constant 0 : i32
    %c0_i32_0 = arith.constant 0 : i32
    %c0_i32_1 = arith.constant 0 : i32
    return %arg0, %c0_i32, %c0_i32_0 : i32, i32, i32
  }
  func.func @transform_1(%arg0: i32, %arg1: i32) -> (i32, i32, i32) {
    %c0_i32 = arith.constant 0 : i32
    %c0_i32_0 = arith.constant 0 : i32
    return %arg0, %arg1, %c0_i32 : i32, i32, i32
  }
  func.func @transform_2(%arg0: i32, %arg1: i32) -> (i32, i32, i32) {
    %c0_i32 = arith.constant 0 : i32
    %c0_i32_0 = arith.constant 0 : i32
    return %arg0, %arg1, %c0_i32 : i32, i32, i32
  }
}

module attributes {stable_mosaic.version = 14 : i64} {
  func.func @_mlp_kernel(%arg0: i32, %arg1: memref<16384x48xf32, #tpu.memory_space<vmem>>, %arg2: memref<512x3xf32, #tpu.memory_space<vmem>>, %arg3: memref<35x64xf32, #tpu.memory_space<vmem>>, %arg4: memref<1x64xf32, #tpu.memory_space<vmem>>, %arg5: memref<64x64xf32, #tpu.memory_space<vmem>>, %arg6: memref<1x64xf32, #tpu.memory_space<vmem>>, %arg7: memref<512x64xf32, #tpu.memory_space<vmem>>) attributes {dimension_semantics = [#tpu.dimension_semantics<arbitrary>], iteration_bounds = array<i64: 4>, scalar_prefetch = 0 : i64, scratch_operands = 0 : i64, tpu.core_type = #tpu.core_type<tc>, window_params = [{transform_indices = @transform_0, window_bounds = array<i64: 16384, 48>}, {transform_indices = @transform_1, window_bounds = array<i64: 512, 3>}, {pipeline_mode = #tpu.pipeline_mode<synchronous>, transform_indices = @transform_2, window_bounds = array<i64: 35, 64>}, {pipeline_mode = #tpu.pipeline_mode<synchronous>, transform_indices = @transform_3, window_bounds = array<i64: 1, 64>}, {pipeline_mode = #tpu.pipeline_mode<synchronous>, transform_indices = @transform_4, window_bounds = array<i64: 64, 64>}, {pipeline_mode = #tpu.pipeline_mode<synchronous>, transform_indices = @transform_5, window_bounds = array<i64: 1, 64>}, {transform_indices = @transform_6, window_bounds = array<i64: 512, 64>}]} {
    %get3A = arith.constant 0 : index
    %get3A_0 = arith.constant 0 : index
    %get3A_1 = vector.load %arg1[%get3A, %get3A_0] : memref<16384x48xf32, #tpu.memory_space<vmem>>, vector<16384x3xf32>
    %get3A_2 = arith.constant 0 : index
    %get3A_3 = arith.constant 0 : index
    %get3A_4 = vector.load %arg2[%get3A_2, %get3A_3] : memref<512x3xf32, #tpu.memory_space<vmem>>, vector<512x3xf32>
    %reshape3A = vector.shape_cast %get3A_1 : vector<16384x3xf32> to vector<512x32x3xf32>
    %broadcast_in_dim3A = vector.shape_cast %get3A_4 : vector<512x3xf32> to vector<512x1x3xf32>
    %sub3A = vector.broadcast %broadcast_in_dim3A : vector<512x1x3xf32> to vector<512x32x3xf32>
    %sub3A_5 = arith.subf %reshape3A, %sub3A : vector<512x32x3xf32>
    %reshape3A_6 = vector.shape_cast %sub3A_5 : vector<512x32x3xf32> to vector<16384x3xf32>
    %get3A_7 = arith.constant 0 : index
    %get3A_8 = arith.constant 3 : index
    %get3A_9 = vector.load %arg1[%get3A_7, %get3A_8] : memref<16384x48xf32, #tpu.memory_space<vmem>>, vector<16384x32xf32>
    %concatenate3A = tpu.concatenate %reshape3A_6, %get3A_9 in 1 : vector<16384x3xf32>, vector<16384x32xf32> -> vector<16384x35xf32>
    %get3A_10 = arith.constant 0 : index
    %get3A_11 = arith.constant 0 : index
    %get3A_12 = vector.load %arg3[%get3A_10, %get3A_11] : memref<35x64xf32, #tpu.memory_space<vmem>>, vector<35x64xf32>
    %get3A_13 = arith.constant 0 : index
    %get3A_14 = arith.constant 0 : index
    %get3A_15 = vector.load %arg4[%get3A_13, %get3A_14] : memref<1x64xf32, #tpu.memory_space<vmem>>, vector<1x64xf32>
    %dot_general3A = arith.constant dense<0.000000e+00> : vector<16384x64xf32>
    %dot_general3A_16 = tpu.matmul %concatenate3A, %get3A_12, %dot_general3A {dimension_numbers = #tpu.dot_dimension_numbers<[1], [0], [0], [1], [0, 0, 1, 1], [], []>, transpose_lhs_hint = false} : vector<16384x35xf32>, vector<35x64xf32>, vector<16384x64xf32> -> vector<16384x64xf32>
    %add3A = vector.broadcast %get3A_15 : vector<1x64xf32> to vector<16384x64xf32>
    %add3A_17 = arith.addf %dot_general3A_16, %add3A : vector<16384x64xf32>
    %max3A = arith.constant 0.000000e+00 : f32
    %max3A_18 = vector.broadcast %max3A : f32 to vector<16384x64xf32>
    %max3A_19 = arith.maximumf %add3A_17, %max3A_18 : vector<16384x64xf32>
    %get3A_20 = arith.constant 0 : index
    %get3A_21 = arith.constant 0 : index
    %get3A_22 = vector.load %arg5[%get3A_20, %get3A_21] : memref<64x64xf32, #tpu.memory_space<vmem>>, vector<64x64xf32>
    %get3A_23 = arith.constant 0 : index
    %get3A_24 = arith.constant 0 : index
    %get3A_25 = vector.load %arg6[%get3A_23, %get3A_24] : memref<1x64xf32, #tpu.memory_space<vmem>>, vector<1x64xf32>
    %dot_general3A_26 = arith.constant dense<0.000000e+00> : vector<16384x64xf32>
    %dot_general3A_27 = tpu.matmul %max3A_19, %get3A_22, %dot_general3A_26 {dimension_numbers = #tpu.dot_dimension_numbers<[1], [0], [0], [1], [0, 0, 1, 1], [], []>, transpose_lhs_hint = false} : vector<16384x64xf32>, vector<64x64xf32>, vector<16384x64xf32> -> vector<16384x64xf32>
    %add3A_28 = vector.broadcast %get3A_25 : vector<1x64xf32> to vector<16384x64xf32>
    %add3A_29 = arith.addf %dot_general3A_27, %add3A_28 : vector<16384x64xf32>
    %max3A_30 = arith.constant 0.000000e+00 : f32
    %max3A_31 = vector.broadcast %max3A_30 : f32 to vector<16384x64xf32>
    %max3A_32 = arith.maximumf %add3A_29, %max3A_31 : vector<16384x64xf32>
    %reshape3A_33 = vector.shape_cast %max3A_32 : vector<16384x64xf32> to vector<512x32x64xf32>
    %reduce_max3A = arith.constant dense<0xFF800000> : vector<512x64xf32>
    %reduce_max3A_34 = vector.multi_reduction <maximumf>, %reshape3A_33, %reduce_max3A [1] : vector<512x32x64xf32> to vector<512x64xf32>
    %swap3A = arith.constant 0 : index
    %swap3A_35 = arith.constant 0 : index
    %swap3A_36 = vector.load %arg7[%swap3A, %swap3A_35] : memref<512x64xf32, #tpu.memory_space<vmem>>, vector<512x64xf32>
    tpu.vector_store %arg7[%swap3A, %swap3A_35], %reduce_max3A_34 {strides = array<i32>} : memref<512x64xf32, #tpu.memory_space<vmem>>, vector<512x64xf32>,
    return
  }
  func.func @transform_0(%arg0: i32) -> (i32, i32) {
    %c0_i32 = arith.constant 0 : i32
    %c0_i32_0 = arith.constant 0 : i32
    return %arg0, %c0_i32 : i32, i32
  }
  func.func @transform_1(%arg0: i32) -> (i32, i32) {
    %c0_i32 = arith.constant 0 : i32
    %c0_i32_0 = arith.constant 0 : i32
    return %arg0, %c0_i32 : i32, i32
  }
  func.func @transform_2(%arg0: i32) -> (i32, i32) {
    %c0_i32 = arith.constant 0 : i32
    %c0_i32_0 = arith.constant 0 : i32
    %c0_i32_1 = arith.constant 0 : i32
    return %c0_i32, %c0_i32_0 : i32, i32
  }
  func.func @transform_3(%arg0: i32) -> (i32, i32) {
    %c0_i32 = arith.constant 0 : i32
    %c0_i32_0 = arith.constant 0 : i32
    %c0_i32_1 = arith.constant 0 : i32
    return %c0_i32, %c0_i32_0 : i32, i32
  }
  func.func @transform_4(%arg0: i32) -> (i32, i32) {
    %c0_i32 = arith.constant 0 : i32
    %c0_i32_0 = arith.constant 0 : i32
    %c0_i32_1 = arith.constant 0 : i32
    return %c0_i32, %c0_i32_0 : i32, i32
  }
  func.func @transform_5(%arg0: i32) -> (i32, i32) {
    %c0_i32 = arith.constant 0 : i32
    %c0_i32_0 = arith.constant 0 : i32
    %c0_i32_1 = arith.constant 0 : i32
    return %c0_i32, %c0_i32_0 : i32, i32
  }
  func.func @transform_6(%arg0: i32) -> (i32, i32) {
    %c0_i32 = arith.constant 0 : i32
    %c0_i32_0 = arith.constant 0 : i32
    return %arg0, %c0_i32 : i32, i32
  }
}

module attributes {stable_mosaic.version = 14 : i64} {
  func.func @_mlp_kernel(%arg0: i32, %arg1: memref<4096x80xf32, #tpu.memory_space<vmem>>, %arg2: memref<256x3xf32, #tpu.memory_space<vmem>>, %arg3: memref<67x64xf32, #tpu.memory_space<vmem>>, %arg4: memref<1x64xf32, #tpu.memory_space<vmem>>, %arg5: memref<64x64xf32, #tpu.memory_space<vmem>>, %arg6: memref<1x64xf32, #tpu.memory_space<vmem>>, %arg7: memref<64x128xf32, #tpu.memory_space<vmem>>, %arg8: memref<1x128xf32, #tpu.memory_space<vmem>>, %arg9: memref<256x128xf32, #tpu.memory_space<vmem>>) attributes {dimension_semantics = [#tpu.dimension_semantics<arbitrary>], iteration_bounds = array<i64: 4>, scalar_prefetch = 0 : i64, scratch_operands = 0 : i64, tpu.core_type = #tpu.core_type<tc>, window_params = [{transform_indices = @transform_0, window_bounds = array<i64: 4096, 80>}, {transform_indices = @transform_1, window_bounds = array<i64: 256, 3>}, {pipeline_mode = #tpu.pipeline_mode<synchronous>, transform_indices = @transform_2, window_bounds = array<i64: 67, 64>}, {pipeline_mode = #tpu.pipeline_mode<synchronous>, transform_indices = @transform_3, window_bounds = array<i64: 1, 64>}, {pipeline_mode = #tpu.pipeline_mode<synchronous>, transform_indices = @transform_4, window_bounds = array<i64: 64, 64>}, {pipeline_mode = #tpu.pipeline_mode<synchronous>, transform_indices = @transform_5, window_bounds = array<i64: 1, 64>}, {pipeline_mode = #tpu.pipeline_mode<synchronous>, transform_indices = @transform_6, window_bounds = array<i64: 64, 128>}, {pipeline_mode = #tpu.pipeline_mode<synchronous>, transform_indices = @transform_7, window_bounds = array<i64: 1, 128>}, {transform_indices = @transform_8, window_bounds = array<i64: 256, 128>}]} {
    %get3A = arith.constant 0 : index
    %get3A_0 = arith.constant 0 : index
    %get3A_1 = vector.load %arg1[%get3A, %get3A_0] : memref<4096x80xf32, #tpu.memory_space<vmem>>, vector<4096x3xf32>
    %get3A_2 = arith.constant 0 : index
    %get3A_3 = arith.constant 0 : index
    %get3A_4 = vector.load %arg2[%get3A_2, %get3A_3] : memref<256x3xf32, #tpu.memory_space<vmem>>, vector<256x3xf32>
    %reshape3A = vector.shape_cast %get3A_1 : vector<4096x3xf32> to vector<256x16x3xf32>
    %broadcast_in_dim3A = vector.shape_cast %get3A_4 : vector<256x3xf32> to vector<256x1x3xf32>
    %sub3A = vector.broadcast %broadcast_in_dim3A : vector<256x1x3xf32> to vector<256x16x3xf32>
    %sub3A_5 = arith.subf %reshape3A, %sub3A : vector<256x16x3xf32>
    %reshape3A_6 = vector.shape_cast %sub3A_5 : vector<256x16x3xf32> to vector<4096x3xf32>
    %get3A_7 = arith.constant 0 : index
    %get3A_8 = arith.constant 3 : index
    %get3A_9 = vector.load %arg1[%get3A_7, %get3A_8] : memref<4096x80xf32, #tpu.memory_space<vmem>>, vector<4096x64xf32>
    %concatenate3A = tpu.concatenate %reshape3A_6, %get3A_9 in 1 : vector<4096x3xf32>, vector<4096x64xf32> -> vector<4096x67xf32>
    %get3A_10 = arith.constant 0 : index
    %get3A_11 = arith.constant 0 : index
    %get3A_12 = vector.load %arg3[%get3A_10, %get3A_11] : memref<67x64xf32, #tpu.memory_space<vmem>>, vector<67x64xf32>
    %get3A_13 = arith.constant 0 : index
    %get3A_14 = arith.constant 0 : index
    %get3A_15 = vector.load %arg4[%get3A_13, %get3A_14] : memref<1x64xf32, #tpu.memory_space<vmem>>, vector<1x64xf32>
    %dot_general3A = arith.constant dense<0.000000e+00> : vector<4096x64xf32>
    %dot_general3A_16 = tpu.matmul %concatenate3A, %get3A_12, %dot_general3A {dimension_numbers = #tpu.dot_dimension_numbers<[1], [0], [0], [1], [0, 0, 1, 1], [], []>, transpose_lhs_hint = false} : vector<4096x67xf32>, vector<67x64xf32>, vector<4096x64xf32> -> vector<4096x64xf32>
    %add3A = vector.broadcast %get3A_15 : vector<1x64xf32> to vector<4096x64xf32>
    %add3A_17 = arith.addf %dot_general3A_16, %add3A : vector<4096x64xf32>
    %max3A = arith.constant 0.000000e+00 : f32
    %max3A_18 = vector.broadcast %max3A : f32 to vector<4096x64xf32>
    %max3A_19 = arith.maximumf %add3A_17, %max3A_18 : vector<4096x64xf32>
    %get3A_20 = arith.constant 0 : index
    %get3A_21 = arith.constant 0 : index
    %get3A_22 = vector.load %arg5[%get3A_20, %get3A_21] : memref<64x64xf32, #tpu.memory_space<vmem>>, vector<64x64xf32>
    %get3A_23 = arith.constant 0 : index
    %get3A_24 = arith.constant 0 : index
    %get3A_25 = vector.load %arg6[%get3A_23, %get3A_24] : memref<1x64xf32, #tpu.memory_space<vmem>>, vector<1x64xf32>
    %dot_general3A_26 = arith.constant dense<0.000000e+00> : vector<4096x64xf32>
    %dot_general3A_27 = tpu.matmul %max3A_19, %get3A_22, %dot_general3A_26 {dimension_numbers = #tpu.dot_dimension_numbers<[1], [0], [0], [1], [0, 0, 1, 1], [], []>, transpose_lhs_hint = false} : vector<4096x64xf32>, vector<64x64xf32>, vector<4096x64xf32> -> vector<4096x64xf32>
    %add3A_28 = vector.broadcast %get3A_25 : vector<1x64xf32> to vector<4096x64xf32>
    %add3A_29 = arith.addf %dot_general3A_27, %add3A_28 : vector<4096x64xf32>
    %max3A_30 = arith.constant 0.000000e+00 : f32
    %max3A_31 = vector.broadcast %max3A_30 : f32 to vector<4096x64xf32>
    %max3A_32 = arith.maximumf %add3A_29, %max3A_31 : vector<4096x64xf32>
    %get3A_33 = arith.constant 0 : index
    %get3A_34 = arith.constant 0 : index
    %get3A_35 = vector.load %arg7[%get3A_33, %get3A_34] : memref<64x128xf32, #tpu.memory_space<vmem>>, vector<64x128xf32>
    %get3A_36 = arith.constant 0 : index
    %get3A_37 = arith.constant 0 : index
    %get3A_38 = vector.load %arg8[%get3A_36, %get3A_37] : memref<1x128xf32, #tpu.memory_space<vmem>>, vector<1x128xf32>
    %dot_general3A_39 = arith.constant dense<0.000000e+00> : vector<4096x128xf32>
    %dot_general3A_40 = tpu.matmul %max3A_32, %get3A_35, %dot_general3A_39 {dimension_numbers = #tpu.dot_dimension_numbers<[1], [0], [0], [1], [0, 0, 1, 1], [], []>, transpose_lhs_hint = false} : vector<4096x64xf32>, vector<64x128xf32>, vector<4096x128xf32> -> vector<4096x128xf32>
    %add3A_41 = vector.broadcast %get3A_38 : vector<1x128xf32> to vector<4096x128xf32>
    %add3A_42 = arith.addf %dot_general3A_40, %add3A_41 : vector<4096x128xf32>
    %max3A_43 = arith.constant 0.000000e+00 : f32
    %max3A_44 = vector.broadcast %max3A_43 : f32 to vector<4096x128xf32>
    %max3A_45 = arith.maximumf %add3A_42, %max3A_44 : vector<4096x128xf32>
    %reshape3A_46 = vector.shape_cast %max3A_45 : vector<4096x128xf32> to vector<256x16x128xf32>
    %reduce_max3A = arith.constant dense<0xFF800000> : vector<256x128xf32>
    %reduce_max3A_47 = vector.multi_reduction <maximumf>, %reshape3A_46, %reduce_max3A [1] : vector<256x16x128xf32> to vector<256x128xf32>
    %swap3A = arith.constant 0 : index
    %swap3A_48 = arith.constant 0 : index
    %swap3A_49 = vector.load %arg9[%swap3A, %swap3A_48] : memref<256x128xf32, #tpu.memory_space<vmem>>, vector<256x128xf32>
    tpu.vector_store %arg9[%swap3A, %swap3A_48], %reduce_max3A_47 {strides = array<i32>} : memref<256x128xf32, #tpu.memory_space<vmem>>, vector<256x128xf32>,
    return
  }
  func.func @transform_0(%arg0: i32) -> (i32, i32) {
    %c0_i32 = arith.constant 0 : i32
    %c0_i32_0 = arith.constant 0 : i32
    return %arg0, %c0_i32 : i32, i32
  }
  func.func @transform_1(%arg0: i32) -> (i32, i32) {
    %c0_i32 = arith.constant 0 : i32
    %c0_i32_0 = arith.constant 0 : i32
    return %arg0, %c0_i32 : i32, i32
  }
  func.func @transform_2(%arg0: i32) -> (i32, i32) {
    %c0_i32 = arith.constant 0 : i32
    %c0_i32_0 = arith.constant 0 : i32
    %c0_i32_1 = arith.constant 0 : i32
    return %c0_i32, %c0_i32_0 : i32, i32
  }
  func.func @transform_3(%arg0: i32) -> (i32, i32) {
    %c0_i32 = arith.constant 0 : i32
    %c0_i32_0 = arith.constant 0 : i32
    %c0_i32_1 = arith.constant 0 : i32
    return %c0_i32, %c0_i32_0 : i32, i32
  }
  func.func @transform_4(%arg0: i32) -> (i32, i32) {
    %c0_i32 = arith.constant 0 : i32
    %c0_i32_0 = arith.constant 0 : i32
    %c0_i32_1 = arith.constant 0 : i32
    return %c0_i32, %c0_i32_0 : i32, i32
  }
  func.func @transform_5(%arg0: i32) -> (i32, i32) {
    %c0_i32 = arith.constant 0 : i32
    %c0_i32_0 = arith.constant 0 : i32
    %c0_i32_1 = arith.constant 0 : i32
    return %c0_i32, %c0_i32_0 : i32, i32
  }
  func.func @transform_6(%arg0: i32) -> (i32, i32) {
    %c0_i32 = arith.constant 0 : i32
    %c0_i32_0 = arith.constant 0 : i32
    %c0_i32_1 = arith.constant 0 : i32
    return %c0_i32, %c0_i32_0 : i32, i32
  }
  func.func @transform_7(%arg0: i32) -> (i32, i32) {
    %c0_i32 = arith.constant 0 : i32
    %c0_i32_0 = arith.constant 0 : i32
    %c0_i32_1 = arith.constant 0 : i32
    return %c0_i32, %c0_i32_0 : i32, i32
  }
  func.func @transform_8(%arg0: i32) -> (i32, i32) {
    %c0_i32 = arith.constant 0 : i32
    %c0_i32_0 = arith.constant 0 : i32
    return %arg0, %c0_i32 : i32, i32
  }
}

</mosaic_0001>

<sc_bundles>
// kernel: kernel.14.cloned.1.call-start
scs
__scs_entry_jumppad:
0x0: {  	(pc) =	sbr.rel $0x88, $3  }
0x1: {  	(tag) =	ssettag $0x0;
	lr =	simm.s32 $0x1  }
0x2: {  	[smem:$0x3F84] =	sst lr;
	_ =	strace $0xD0000000  }
0x3: {  	_ = 	snop  }
0x4: {  	_ = 	snop  }
0x5: {  	_ = 	snop  }
0x6: {  	_ = 	snop  }
0x7: {  	_ = 	snop  }
__scs_overlays_trampoline_lowered:
0x8: {  	[smem:$0x3F93] =	sst s0  }
0x9: {  	[smem:$0x3F94] =	sst s1  }
0xa: {  	[smem:$0x3F95] =	sst s2  }
0xb: {  	[smem:$0x3F96] =	sst s3  }
0xc: {  	[smem:$0x3F97] =	sst s4  }
0xd: {  	[smem:$0x3F98] =	sst s5  }
0xe: {  	[smem:$0x3F99] =	sst s6  }
0xf: {  	[smem:$0x3F9A] =	sst s7  }
0x10: {  	[smem:$0x3F9B] =	sst s8  }
0x11: {  	[smem:$0x3F9C] =	sst s9;
	s0 =	simm.s32 @!p0 $0x0  }
0x12: {  	s1 =	sld [smem:$0x3F82];
	s0 =	simm.s32 @p0 $0x1  }
0x13: {  	[smem:$0x3F9D] =	sst s0;
	s0 =	simm.s32 @!p1 $0x0  }
0x14: {  	s2 =	sld [smem:$0x3F81];
	s0 =	simm.s32 @p1 $0x1  }
0x15: {  	[smem:$0x3F9E] =	sst s0;
	s0 =	simm.s32 @!p2 $0x0  }
0x16: {  	s3 =	sld [smem:$0x3FDB];
	s0 =	simm.s32 @p2 $0x1  }
0x17: {  	s4 =	simm.s32 $0x1BF5;
	[smem:$0x3FA0] =	sst s0  }
0x18: {  	s0 =	sld [smem:$0x3F83];
	_ =	swait.ge [sflag:s4], $0x0  }
0x19: {  	s7 =	sld [smem:$0x3F84]  }
0x1a: {  	s8 =	sadd.s32 $0xFFFFE003, lr  }
0x1b: {  	s9 =	sadd.s32 $0xFFFFFEF7, lr;
	s5 =	simm.s32 $0xFFFFFFFF;
	p2 =	slt.u32 s8, $0xFFFFF086  }
0x1c: {  	p1 =	slt.u32 s9, $0xF7A;
	s5 =	simm.s32 @!p2 $0x0  }
0x1d: {  	s5 =	simm.s32 @p1 $0x1;
	p0 =	seq.s32 s7, s2  }
0x1e: {  	s7 =	smul.u32 @!p0 $0xF7A, s2;
	p2 =	seq.s32 @!p0 s5, $0x0  }
0x1f: {  	s9 =	smul.u32 $0xF7A, s1;
	s8 =	simm.s32 @!p0 $0x1BF5;
	p2 =	por !p2, p0  }
0x20: {  	[sflag:s8] =	ssyncset.s32 @!p0 $0xFFFFF086;
	s6 =	sadd.s32 @!p0 s3, s7;
	s7 =	simm.s32 @!p0 $0x108  }
0x21: {  	s3 =	sadd.s32 s3, s9;
	s6 =	sadd.s32 @!p0 $0x88, s6;
	s7 =	simm.s32 @p2 $0x1082  }
0x22: {  	[simem:s7], [sflag:s8] =	dma.local @!p0 [hbm:s6], $0xF7A  }
0x23: {  	s9 =	sor.u32 $0xD0000000, s2;
	s6 =	simm.s32 $0x108;
	_ =	swait.ge @!p0 [sflag:s8], $0x0  }
0x24: {  	s3 =	sadd.s32 $0x88, s3;
	s6 =	simm.s32 @!p1 $0x1082;
	[sflag:s4] =	ssyncset.s32 $0xFFFFF086  }
0x25: {  	[simem:s6], [sflag:s4] =	dma.local [hbm:s3], $0xF7A  }
0x26: {  	[smem:$0x3F84] =	sst s1;
	(tag) =	ssettag s2;
	_ =	strace s9  }
0x27: {  	s1 =	sld [smem:$0x3F94]  }
0x28: {  	s2 =	sld [smem:$0x3F95]  }
0x29: {  	s4 =	sld [smem:$0x3F97]  }
0x2a: {  	p0 =	seq.s32 s5, $0x0;
	s5 =	sld [smem:$0x3F98]  }
0x2b: {  	s6 =	sld [smem:$0x3F99]  }
0x2c: {  	s7 =	sld [smem:$0x3F9A]  }
0x2d: {  	s3 =	simm.s32 $0x108;
	s8 =	sld [smem:$0x3F9B]  }
0x2e: {  	s3 =	simm.s32 @!p0 $0x1082;
	s9 =	sld [smem:$0x3F9C]  }
0x2f: {  	lr =	sadd.s32 s0, s3;
	s0 =	sld [smem:$0x3F93]  }
0x30: {  	s3 =	sld [smem:$0x3F96]  }
0x31: {  	[smem:$0x3F9F] =	sst s10  }
0x32: {  	s10 =	sld [smem:$0x3F9D];
	_ =	sdelay $0x3  }
0x33: {  	p0 =	seq.s32 s10, $0x1;
	s10 =	sld [smem:$0x3F9F];
	_ =	sdelay $0x3  }
0x34: {  	[smem:$0x3F9F] =	sst s10  }
0x35: {  	s10 =	sld [smem:$0x3F9E];
	_ =	sdelay $0x3  }
0x36: {  	p1 =	seq.s32 s10, $0x1;
	s10 =	sld [smem:$0x3F9F];
	_ =	sdelay $0x3  }
0x37: {  	[smem:$0x3F9F] =	sst s10  }
0x38: {  	s10 =	sld [smem:$0x3FA0]  }
0x39: {  	_ = 	snop;
	(pc) =	sbr.ind lr, $3  }
0x3a: {  	_ = 	snop  }
0x3b: {  	_ = 	snop  }
0x3c: {  	p2 =	seq.s32 s10, $0x1;
	s10 =	sld [smem:$0x3F9F]  }
0x3d: {  	_ =	shalt  }
0x3e: {  	_ =	shalt  }
0x3f: {  	_ =	shalt  }
0x40: {  	_ =	shalt  }
0x41: {  	_ =	shalt  }
0x42: {  	_ =	shalt  }
0x43: {  	_ =	shalt  }
0x44: {  	_ =	shalt  }
0x45: {  	_ =	shalt  }
0x46: {  	_ =	shalt  }
0x47: {  	_ =	shalt  }
0x48: {  	_ =	shalt  }
0x49: {  	_ =	shalt  }
0x4a: {  	_ =	shalt  }
0x4b: {  	_ =	shalt  }
0x4c: {  	_ =	shalt  }
0x4d: {  	_ =	shalt  }
0x4e: {  	_ =	shalt  }
0x4f: {  	_ =	shalt  }
0x50: {  	_ =	shalt  }
0x51: {  	_ =	shalt  }
0x52: {  	_ =	shalt  }
0x53: {  	_ =	shalt  }
0x54: {  	_ =	shalt  }
0x55: {  	_ =	shalt  }
0x56: {  	_ =	shalt  }
0x57: {  	_ =	shalt  }
0x58: {  	_ =	shalt  }
0x59: {  	_ =	shalt  }
0x5a: {  	_ =	shalt  }
0x5b: {  	_ =	shalt  }
0x5c: {  	_ =	shalt  }
0x5d: {  	_ =	shalt  }
0x5e: {  	_ =	shalt  }
0x5f: {  	_ =	shalt  }
0x60: {  	_ =	shalt  }
0x61: {  	_ =	shalt  }
0x62: {  	_ =	shalt  }
0x63: {  	_ =	shalt  }
0x64: {  	_ =	shalt  }
0x65: {  	_ =	shalt  }
0x66: {  	_ =	shalt  }
0x67: {  	_ =	shalt  }
0x68: {  	_ =	shalt  }
0x69: {  	_ =	shalt  }
0x6a: {  	_ =	shalt  }
0x6b: {  	_ =	shalt  }
0x6c: {  	_ =	shalt  }
0x6d: {  	_ =	shalt  }
0x6e: {  	_ =	shalt  }
0x6f: {  	_ =	shalt  }
0x70: {  	_ =	shalt  }
0x71: {  	_ =	shalt  }
0x72: {  	_ =	shalt  }
0x73: {  	_ =	shalt  }
0x74: {  	_ =	shalt  }
0x75: {  	_ =	shalt  }
0x76: {  	_ =	shalt  }
0x77: {  	_ =	shalt  }
0x78: {  	_ =	shalt  }
0x79: {  	_ =	shalt  }
0x7a: {  	_ =	shalt  }
0x7b: {  	_ =	shalt  }
0x7c: {  	_ =	shalt  }
0x7d: {  	_ =	shalt  }
0x7e: {  	_ =	shalt  }
0x7f: {  	_ =	shalt  }
0x80: {  	_ =	shalt  }
0x81: {  	_ =	shalt  }
0x82: {  	_ =	shalt  }
0x83: {  	_ =	shalt  }
0x84: {  	_ =	shalt  }
0x85: {  	_ =	shalt  }
0x86: {  	_ =	shalt  }
0x87: {  	_ =	shalt  }
.Lfunc_end0:
.L_simem_size_0:
called_computation_lowered:
.L_overlay_start_0:
0x88: {  	s2 =	sld [smem:$0x3FD9]  }
0x89: {  	s3 =	sld [smem:$0x3FFE];
	_ =	sdelay $0x1  }
0x8a: {  	s1 =	srdreg.scid  }
0x8b: {  	s0 =	sand.u32 $0x1, s1  }
0x8c: {  	s17 =	sshll.u32 s0, $0xA;
	s2 =	sadd.s32 s3, s2  }
0x8d: {  	s2 =	sadd.s32 s2, s17  }
0x8e: {  	[smem:$0x3FAB] =	sst s2  }
0x8f: {  	_ = 	snop  }
0x90: {  	s2 =	sld [smem:$0x3FD0];
	(tm) =	ssettm $0x1  }
0x91: {  	s18 =	sld [smem:$0x3FFB];
	_ =	sdelay $0x3  }
0x92: {  	_ =	strace s18  }
0x93: {  	s3 =	sld [smem:$0x3FFC];
	_ =	sdelay $0x3  }
0x94: {  	_ =	strace s3  }
0x95: {  	s3 =	sld [smem:$0x3FFD];
	_ =	sdelay $0x3  }
0x96: {  	_ =	strace s3  }
0x97: {  	_ =	strace $0x8FFFFFFF  }
0x98: {  	s19 =	sld [smem:$0x3FDB];
	_ =	sdelay $0x1  }
0x99: {  	s4 =	simm.s32 $_scs_section_size  }
0x9a: {  	s5 =	simm.s32 $_size__tile_overlayer_lowered;
	s6 =	simm.s32 $_tile_overlayer_lowered  }
0x9b: {  	s22 =	simm.s32 $0x1BFF;
	s21 =	sshll.u32 s6, $0x1;
	s3 =	sadd.s32 s4, s19  }
0x9c: {  	s7 =	simm.s32 $0x0;
	s20 =	sshll.u32 s5, $0x1;
	s5 =	sadd.s32 s21, s3  }
0x9d: {  	[timem:s7], [sflag:s22] =	dma.local [hbm:s5], s20  }
0x9e: {  	_ =	swait.ge [sflag:s22], s20  }
0x9f: {  	s4 =	ssub.s32 $0x0, s20;
	[sflag:s22] =	ssyncset.done $0x0  }
0xa0: {  	[sflag:s22] =	ssyncadd.s32 s4;
	_ =	sdelay $0x1  }
0xa1: {  	s23 =	simm.s32 $0x1B8B  }
0xa2: {  	_ =	swait.ge [sflag:s23], $0x1  }
0xa3: {  	[sflag:s23] =	ssyncset.done $0x0  }
0xa4: {  	s25 =	simm.s32 $0x1B8E;
	s24 =	sld [smem:$0x3FFE];
	[sflag:s23] =	ssyncadd.s32 $0xFFFFFFFF  }
0xa5: {  	s26 =	simm.s32 $execute0_lowered;
	[smem:$0x3FD2] =	sst s25  }
0xa6: {  	s5 =	sshll.u32 s26, $0x1;
	_ =	strace $0x80000046;
	[dreg:$0x1] =	wrdreg $0xFFFFFFFF  }
0xa7: {  	s28 =	simm.s32 $_size_execute0_lowered;
	s3 =	sadd.s32 s3, s5;
	[dreg:$0x0] =	wrdreg $0x0  }
0xa8: {  	s5 =	sshll.u32 s28, $0x1;
	[dreg:$0x2] =	wrdreg s3  }
0xa9: {  	[dreg:$0x3] =	wrdreg s5  }
0xaa: {  	[dreg:$0x4] =	wrdreg $0xC0  }
0xab: {  	_ =	task [dreg:s7], $0x5FFFF  }
0xac: {  	[dreg:$0x1] =	wrdreg $0xFFFFFFFF  }
0xad: {  	[dreg:$0x0] =	wrdreg $0x60  }
0xae: {  	[dreg:$0x2] =	wrdreg s24  }
0xaf: {  	[dreg:$0x3] =	wrdreg s2  }
0xb0: {  	[dreg:$0x4] =	wrdreg $0x9  }
0xb1: {  	_ =	task.clear_ibuf [dreg:s7], $0x5FFFF;
	_ =	strace $0x90000046  }
0xb2: {  	s29 =	simm.s32 $0x9;
	_ =	strace $0x80000048  }
0xb3: {  	_ =	swait.ge [sflag:s29], $0x1  }
0xb4: {  	[sflag:s29] =	ssyncadd.s32 $0xFFFFFFFF  }
0xb5: {  	_ =	strace $0x90000048  }
0xb6: {  	_ =	sfence  }
0xb7: {  	s30 =	sld [smem:$0x0];
	_ =	sdelay $0x2  }
0xb8: {  	s31 =	sshll.u32 s1, $0xD;
	s1 =	sshrl.u32 s1, $0x2  }
0xb9: {  	s3 =	sand.u32 $0x4000, s31;
	s1 =	sadd.s32 s1, s30  }
0xba: {  	s0 =	sor.u32 s3, s0;
	s1 =	sshll.u32 s1, $0x11  }
0xbb: {  	s0 =	sor.u32 s1, s0  }
0xbc: {  	s0 =	sadd.s32 $0x8F2B, s0  }
0xbd: {  	[sflag:s0] =	ssyncadd.remote.s32 $0x1  }
0xbe: {  	_ =	sfence.sel $0xFFFF  }
0xbf: {  	[dreg:$0x0] =	wrdreg $0xFFFFFFFF;
	(pc) =	sbr.abs _section_cstart, $3  }
0xc0: {  	[dreg:$0x1] =	wrdreg $0xFFFFFFFF  }
0xc1: {  	_ =	task.clear_ibuf [dreg:s7], $0x2FFFF;
	_ =	strace $0x9FFFFFFF  }
0xc2: {  	(tm) =	ssettm $0x7FFFFFFF  }
0xc3: {  	_ =	shalt  }
tec
execute0_lowered:
.L_overlay_start_1:
0x0: {  	(tag) =	ssettag $0x1  }
0x1: {  	s4 =	rddreg [dreg:$0x0]  }
0x2: {  	s5 =	rddreg [dreg:$0x1]  }
0x3: {  	s0 =	rddreg [dreg:$0x2]  }
0x4: {  	s3 =	srdreg.scid;
	s2 =	simm.s32 $0x0;
	s1 =	stileid.u32  }
0x5: {  	s9 =	simm.s32 $0x1000;
	s10 =	simm.s32 $0x1;
	s11 =	simm.s32 $0x0  }
0x6: {  	s6 =	sand.u32 $0x1, s3;
	[smem:$0x7FF] =	sst s2;
	s30 =	sshll.u32 s1, $0xD  }
0x7: {  	s3 =	sadd.s32 $0x84E00, s4;
	s7 =	sshll.u32 s6, $0xC;
	s6 =	ssub.s32 $0x2, s6  }
0x8: {  	_ =	strace $0x80000047;
	s7 =	sor.u32 s7, s30;
	s31 =	sshrl.u32 s6, $0x1  }
0x9: {  	s8 =	sshll.u32 s7, $0x1;
	s7 =	sshrl.u32 s7, $0x3;
	s6 =	ssub.s32 s6, s31  }
0xa: {  	s8 =	sadd.s32 s8, s4;
	s4 =	sadd.s32 s5, s7;
	s6 =	smax.u32 s6, $0x1  }
0xb: {  	s7 =	simm.s32 $0x2;
	s5 =	sadd.s32 $0x4E00, s8;
	s8 =	simm.s32 $0x80  }
.LBB2_1:
0xc: {  	[tilespmem:s2], [sflag:$0x2] =	stream.linear.gather [hbm4b:s4+s2], $0x1000, $0x38;
	[tilespmem:$0x11000] =	vst v63  }
0xd: {  	_ =	swait.ge [sflag:s7], $0x1000  }
0xe: {  	[sflag:s7] =	ssyncset.done $0x0  }
0xf: {  	[sflag:s7] =	ssyncadd.s32 $0xFFFFF000  }
0x10: {  	[tilespmem:s9], [sflag:$0x1] =	stream.indirect.gather [hbm4b:s3+s8], $0x10, s2, s8, $0xb8;
	[tilespmem:$0x11000] =	vst v63  }
0x11: {  	s12 =	simm.s32 $0x1800;
	s13 =	simm.s32 $0x80  }
0x12: {  	[tilespmem:s12], [sflag:$0x1] =	stream.indirect.gather [hbm4b:s3+s8], $0x10, s13, s8, $0xb8;
	[tilespmem:$0x11000] =	vst v63  }
0x13: {  	_ =	swait.ge [sflag:s10], $0x800  }
0x14: {  	s13 =	simm.s32 $0x400;
	[sflag:s10] =	ssyncset.done $0x0  }
.LBB2_2:
0x15: {  	s14 =	sshra.s32 s13, $0x2  }
0x16: {  	[sflag:s10] =	ssyncadd.s32 $0xFFFFF800;
	s12 =	sadd.s32 $0x800, s12;
	p0 =	sne.s32 s13, $0x3E00  }
0x17: {  	[tilespmem:s12], [sflag:$0x1] =	stream.indirect.gather [hbm4b:s3+s8], $0x10, s14, s8, $0xb8;
	[tilespmem:$0x11000] =	vst v63  }
.Ltmp0:
0x18: {  	_ = 	snop;
	(pc) =	sbr.rel @p0 .LBB2_2-.Ltmp0, $4  }
0x19: {  	_ = 	snop  }
0x1a: {  	s13 =	sadd.s32 $0x200, s13  }
0x1b: {  	_ =	swait.ge [sflag:s10], $0x800  }
0x1c: {  	[sflag:s10] =	ssyncset.done $0x0  }
0x1d: {  	[sflag:s10] =	ssyncadd.s32 $0xFFFFF800  }
0x1e: {  	s11 =	sadd.s32 $0x1, s11;
	_ =	swait.ge [sflag:s10], $0x800  }
0x1f: {  	p0 =	sne.s32 s11, s6;
	[sflag:s10] =	ssyncset.done $0x0  }
.Ltmp1:
0x20: {  	[sflag:s10] =	ssyncadd.s32 $0xFFFFF800;
	(pc) =	sbr.rel @p0 .LBB2_1-.Ltmp1, $4  }
0x21: {  	[hbm4b:s5+s2] =	stream.linear.scatter [tilespmem:s9], [sflag:$0x2], $0x10000, $0x38;
	[tilespmem:$0x11000] =	vst v63  }
0x22: {  	_ =	swait.ge [sflag:s7], $0x10000  }
0x23: {  	[sflag:s7] =	ssyncset.done $0x0  }
0x24: {  	[sflag:s7] =	ssyncadd.s32 $0xFFFF0000  }
0x25: {  	_ =	sfence.sel $0x180000  }
0x26: {  	[bflag:$0x0] =	sbarrier.arrive $0xFFFF  }
0x27: {  	p0 =	sne.s32 s1, $0x0;
	_ =	strace $0x90000047  }
0x28: {  	s0 =	sadd.s32 @!p0 $0x100000, s0;
	[bflag:$0x2] =	sbarrier.arrive $0xFFFF  }
0x29: {  	[sflag:s0] =	ssyncadd.tile.s32 @!p0 $0x1;
	_ =	shalt  }
.Lfunc_end2:
_tile_overlayer_lowered:
.L_overlay_start_2:
0x2a: {  	(tag) =	ssettag $0x2  }
0x2b: {  	s0 =	rddreg [dreg:$0x0];
	s2 =	stileid.u32  }
0x2c: {  	s1 =	rddreg [dreg:$0x1];
	p0 =	sne.s32 s2, $0x0  }
0x2d: {  	s3 =	rddreg [dreg:$0x2];
	[bflag:$0x3] =	sbarrier.arrive $0xFFFF;
	s2 =	simm.s32 @!p0 $0x1C02  }
0x2e: {  	[timem:s3], [sflag:s2] =	dma.local @!p0 [hbm:s0], s1  }
0x2f: {  	s0 =	simm.s32 @!p0 $0x2  }
0x30: {  	_ =	swait.ge @!p0 [sflag:s0], s1  }
0x31: {  	s1 =	ssub.s32 @!p0 $0x0, s1;
	[sflag:s0] =	ssyncset.done @!p0 $0x0  }
0x32: {  	[sflag:s0] =	ssyncadd.s32 @!p0 s1  }
0x33: {  	[bflag:$0x3] =	sbarrier.arrive $0xFFFF  }
0x34: {  	_ =	shalt  }

// kernel: kernel.17.cloned.1.call-start
scs
__scs_entry_jumppad:
0x0: {  	(pc) =	sbr.rel $0x88, $3  }
0x1: {  	(tag) =	ssettag $0x0;
	lr =	simm.s32 $0x1  }
0x2: {  	[smem:$0x3F84] =	sst lr;
	_ =	strace $0xD0000000  }
0x3: {  	_ = 	snop  }
0x4: {  	_ = 	snop  }
0x5: {  	_ = 	snop  }
0x6: {  	_ = 	snop  }
0x7: {  	_ = 	snop  }
__scs_overlays_trampoline_lowered:
0x8: {  	[smem:$0x3F93] =	sst s0  }
0x9: {  	[smem:$0x3F94] =	sst s1  }
0xa: {  	[smem:$0x3F95] =	sst s2  }
0xb: {  	[smem:$0x3F96] =	sst s3  }
0xc: {  	[smem:$0x3F97] =	sst s4  }
0xd: {  	[smem:$0x3F98] =	sst s5  }
0xe: {  	[smem:$0x3F99] =	sst s6  }
0xf: {  	[smem:$0x3F9A] =	sst s7  }
0x10: {  	[smem:$0x3F9B] =	sst s8  }
0x11: {  	[smem:$0x3F9C] =	sst s9;
	s0 =	simm.s32 @!p0 $0x0  }
0x12: {  	s1 =	sld [smem:$0x3F82];
	s0 =	simm.s32 @p0 $0x1  }
0x13: {  	[smem:$0x3F9D] =	sst s0;
	s0 =	simm.s32 @!p1 $0x0  }
0x14: {  	s2 =	sld [smem:$0x3F81];
	s0 =	simm.s32 @p1 $0x1  }
0x15: {  	[smem:$0x3F9E] =	sst s0;
	s0 =	simm.s32 @!p2 $0x0  }
0x16: {  	s3 =	sld [smem:$0x3FDB];
	s0 =	simm.s32 @p2 $0x1  }
0x17: {  	s4 =	simm.s32 $0x1BF5;
	[smem:$0x3FA0] =	sst s0  }
0x18: {  	s0 =	sld [smem:$0x3F83];
	_ =	swait.ge [sflag:s4], $0x0  }
0x19: {  	s7 =	sld [smem:$0x3F84]  }
0x1a: {  	s8 =	sadd.s32 $0xFFFFE003, lr  }
0x1b: {  	s9 =	sadd.s32 $0xFFFFFEF7, lr;
	s5 =	simm.s32 $0xFFFFFFFF;
	p2 =	slt.u32 s8, $0xFFFFF086  }
0x1c: {  	p1 =	slt.u32 s9, $0xF7A;
	s5 =	simm.s32 @!p2 $0x0  }
0x1d: {  	s5 =	simm.s32 @p1 $0x1;
	p0 =	seq.s32 s7, s2  }
0x1e: {  	s7 =	smul.u32 @!p0 $0xF7A, s2;
	p2 =	seq.s32 @!p0 s5, $0x0  }
0x1f: {  	s9 =	smul.u32 $0xF7A, s1;
	s8 =	simm.s32 @!p0 $0x1BF5;
	p2 =	por !p2, p0  }
0x20: {  	[sflag:s8] =	ssyncset.s32 @!p0 $0xFFFFF086;
	s6 =	sadd.s32 @!p0 s3, s7;
	s7 =	simm.s32 @!p0 $0x108  }
0x21: {  	s3 =	sadd.s32 s3, s9;
	s6 =	sadd.s32 @!p0 $0x88, s6;
	s7 =	simm.s32 @p2 $0x1082  }
0x22: {  	[simem:s7], [sflag:s8] =	dma.local @!p0 [hbm:s6], $0xF7A  }
0x23: {  	s9 =	sor.u32 $0xD0000000, s2;
	s6 =	simm.s32 $0x108;
	_ =	swait.ge @!p0 [sflag:s8], $0x0  }
0x24: {  	s3 =	sadd.s32 $0x88, s3;
	s6 =	simm.s32 @!p1 $0x1082;
	[sflag:s4] =	ssyncset.s32 $0xFFFFF086  }
0x25: {  	[simem:s6], [sflag:s4] =	dma.local [hbm:s3], $0xF7A  }
0x26: {  	[smem:$0x3F84] =	sst s1;
	(tag) =	ssettag s2;
	_ =	strace s9  }
0x27: {  	s1 =	sld [smem:$0x3F94]  }
0x28: {  	s2 =	sld [smem:$0x3F95]  }
0x29: {  	s4 =	sld [smem:$0x3F97]  }
0x2a: {  	p0 =	seq.s32 s5, $0x0;
	s5 =	sld [smem:$0x3F98]  }
0x2b: {  	s6 =	sld [smem:$0x3F99]  }
0x2c: {  	s7 =	sld [smem:$0x3F9A]  }
0x2d: {  	s3 =	simm.s32 $0x108;
	s8 =	sld [smem:$0x3F9B]  }
0x2e: {  	s3 =	simm.s32 @!p0 $0x1082;
	s9 =	sld [smem:$0x3F9C]  }
0x2f: {  	lr =	sadd.s32 s0, s3;
	s0 =	sld [smem:$0x3F93]  }
0x30: {  	s3 =	sld [smem:$0x3F96]  }
0x31: {  	[smem:$0x3F9F] =	sst s10  }
0x32: {  	s10 =	sld [smem:$0x3F9D];
	_ =	sdelay $0x3  }
0x33: {  	p0 =	seq.s32 s10, $0x1;
	s10 =	sld [smem:$0x3F9F];
	_ =	sdelay $0x3  }
0x34: {  	[smem:$0x3F9F] =	sst s10  }
0x35: {  	s10 =	sld [smem:$0x3F9E];
	_ =	sdelay $0x3  }
0x36: {  	p1 =	seq.s32 s10, $0x1;
	s10 =	sld [smem:$0x3F9F];
	_ =	sdelay $0x3  }
0x37: {  	[smem:$0x3F9F] =	sst s10  }
0x38: {  	s10 =	sld [smem:$0x3FA0]  }
0x39: {  	_ = 	snop;
	(pc) =	sbr.ind lr, $3  }
0x3a: {  	_ = 	snop  }
0x3b: {  	_ = 	snop  }
0x3c: {  	p2 =	seq.s32 s10, $0x1;
	s10 =	sld [smem:$0x3F9F]  }
0x3d: {  	_ =	shalt  }
0x3e: {  	_ =	shalt  }
0x3f: {  	_ =	shalt  }
0x40: {  	_ =	shalt  }
0x41: {  	_ =	shalt  }
0x42: {  	_ =	shalt  }
0x43: {  	_ =	shalt  }
0x44: {  	_ =	shalt  }
0x45: {  	_ =	shalt  }
0x46: {  	_ =	shalt  }
0x47: {  	_ =	shalt  }
0x48: {  	_ =	shalt  }
0x49: {  	_ =	shalt  }
0x4a: {  	_ =	shalt  }
0x4b: {  	_ =	shalt  }
0x4c: {  	_ =	shalt  }
0x4d: {  	_ =	shalt  }
0x4e: {  	_ =	shalt  }
0x4f: {  	_ =	shalt  }
0x50: {  	_ =	shalt  }
0x51: {  	_ =	shalt  }
0x52: {  	_ =	shalt  }
0x53: {  	_ =	shalt  }
0x54: {  	_ =	shalt  }
0x55: {  	_ =	shalt  }
0x56: {  	_ =	shalt  }
0x57: {  	_ =	shalt  }
0x58: {  	_ =	shalt  }
0x59: {  	_ =	shalt  }
0x5a: {  	_ =	shalt  }
0x5b: {  	_ =	shalt  }
0x5c: {  	_ =	shalt  }
0x5d: {  	_ =	shalt  }
0x5e: {  	_ =	shalt  }
0x5f: {  	_ =	shalt  }
0x60: {  	_ =	shalt  }
0x61: {  	_ =	shalt  }
0x62: {  	_ =	shalt  }
0x63: {  	_ =	shalt  }
0x64: {  	_ =	shalt  }
0x65: {  	_ =	shalt  }
0x66: {  	_ =	shalt  }
0x67: {  	_ =	shalt  }
0x68: {  	_ =	shalt  }
0x69: {  	_ =	shalt  }
0x6a: {  	_ =	shalt  }
0x6b: {  	_ =	shalt  }
0x6c: {  	_ =	shalt  }
0x6d: {  	_ =	shalt  }
0x6e: {  	_ =	shalt  }
0x6f: {  	_ =	shalt  }
0x70: {  	_ =	shalt  }
0x71: {  	_ =	shalt  }
0x72: {  	_ =	shalt  }
0x73: {  	_ =	shalt  }
0x74: {  	_ =	shalt  }
0x75: {  	_ =	shalt  }
0x76: {  	_ =	shalt  }
0x77: {  	_ =	shalt  }
0x78: {  	_ =	shalt  }
0x79: {  	_ =	shalt  }
0x7a: {  	_ =	shalt  }
0x7b: {  	_ =	shalt  }
0x7c: {  	_ =	shalt  }
0x7d: {  	_ =	shalt  }
0x7e: {  	_ =	shalt  }
0x7f: {  	_ =	shalt  }
0x80: {  	_ =	shalt  }
0x81: {  	_ =	shalt  }
0x82: {  	_ =	shalt  }
0x83: {  	_ =	shalt  }
0x84: {  	_ =	shalt  }
0x85: {  	_ =	shalt  }
0x86: {  	_ =	shalt  }
0x87: {  	_ =	shalt  }
.Lfunc_end0:
.L_simem_size_0:
called_computation.1_lowered:
.L_overlay_start_0:
0x88: {  	s2 =	sld [smem:$0x3FD9]  }
0x89: {  	s3 =	sld [smem:$0x3FFE];
	_ =	sdelay $0x1  }
0x8a: {  	s1 =	srdreg.scid  }
0x8b: {  	s0 =	sand.u32 $0x1, s1  }
0x8c: {  	s16 =	sshll.u32 s0, $0xA;
	s2 =	sadd.s32 s3, s2  }
0x8d: {  	s2 =	sadd.s32 s2, s16  }
0x8e: {  	[smem:$0x3FAB] =	sst s2  }
0x8f: {  	_ = 	snop  }
0x90: {  	(tm) =	ssettm $0x1  }
0x91: {  	s17 =	sld [smem:$0x3FFB];
	_ =	sdelay $0x3  }
0x92: {  	_ =	strace s17  }
0x93: {  	s2 =	sld [smem:$0x3FFC];
	_ =	sdelay $0x3  }
0x94: {  	_ =	strace s2  }
0x95: {  	s2 =	sld [smem:$0x3FFD];
	_ =	sdelay $0x3  }
0x96: {  	_ =	strace s2  }
0x97: {  	_ =	strace $0x8FFFFFFF  }
0x98: {  	s18 =	sld [smem:$0x3FDB];
	_ =	sdelay $0x1  }
0x99: {  	s19 =	simm.s32 $_scs_section_size  }
0x9a: {  	s4 =	simm.s32 $_size__tile_overlayer_lowered;
	s5 =	simm.s32 $_tile_overlayer_lowered  }
0x9b: {  	s22 =	simm.s32 $0x1BFF;
	s21 =	sshll.u32 s5, $0x1;
	s2 =	sadd.s32 s19, s18  }
0x9c: {  	s6 =	simm.s32 $0x0;
	s20 =	sshll.u32 s4, $0x1;
	s4 =	sadd.s32 s21, s2  }
0x9d: {  	[timem:s6], [sflag:s22] =	dma.local [hbm:s4], s20  }
0x9e: {  	_ =	swait.ge [sflag:s22], s20  }
0x9f: {  	s3 =	ssub.s32 $0x0, s20;
	[sflag:s22] =	ssyncset.done $0x0  }
0xa0: {  	[sflag:s22] =	ssyncadd.s32 s3;
	_ =	sdelay $0x1  }
0xa1: {  	s23 =	simm.s32 $0x1B8B  }
0xa2: {  	_ =	swait.ge [sflag:s23], $0x1  }
0xa3: {  	[sflag:s23] =	ssyncset.done $0x0  }
0xa4: {  	s25 =	simm.s32 $0x1B8E;
	s24 =	sld [smem:$0x3FFE];
	[sflag:s23] =	ssyncadd.s32 $0xFFFFFFFF  }
0xa5: {  	s26 =	simm.s32 $execute0_lowered;
	[smem:$0x3FD2] =	sst s25  }
0xa6: {  	s4 =	sshll.u32 s26, $0x1;
	_ =	strace $0x80000049;
	[dreg:$0x1] =	wrdreg $0xFFFFFFFF  }
0xa7: {  	s28 =	simm.s32 $_size_execute0_lowered;
	s2 =	sadd.s32 s2, s4;
	[dreg:$0x0] =	wrdreg $0x0  }
0xa8: {  	s4 =	sshll.u32 s28, $0x1;
	[dreg:$0x2] =	wrdreg s2  }
0xa9: {  	[dreg:$0x3] =	wrdreg s4  }
0xaa: {  	[dreg:$0x4] =	wrdreg $0xC0  }
0xab: {  	_ =	task [dreg:s6], $0x5FFFF  }
0xac: {  	[dreg:$0x1] =	wrdreg $0xFFFFFFFF  }
0xad: {  	[dreg:$0x0] =	wrdreg $0x60  }
0xae: {  	[dreg:$0x2] =	wrdreg s24  }
0xaf: {  	[dreg:$0x3] =	wrdreg $0x9  }
0xb0: {  	_ =	task.clear_ibuf [dreg:s6], $0x4FFFF;
	_ =	strace $0x90000049  }
0xb1: {  	s29 =	simm.s32 $0x9;
	_ =	strace $0x8000004B  }
0xb2: {  	_ =	swait.ge [sflag:s29], $0x1  }
0xb3: {  	[sflag:s29] =	ssyncadd.s32 $0xFFFFFFFF  }
0xb4: {  	_ =	strace $0x9000004B  }
0xb5: {  	_ =	sfence  }
0xb6: {  	s30 =	sld [smem:$0x0];
	_ =	sdelay $0x2  }
0xb7: {  	s31 =	sshll.u32 s1, $0xD;
	s1 =	sshrl.u32 s1, $0x2  }
0xb8: {  	s3 =	sand.u32 $0x4000, s31;
	s1 =	sadd.s32 s1, s30  }
0xb9: {  	s0 =	sor.u32 s3, s0;
	s1 =	sshll.u32 s1, $0x11  }
0xba: {  	s0 =	sor.u32 s1, s0  }
0xbb: {  	s0 =	sadd.s32 $0x8F2B, s0  }
0xbc: {  	[sflag:s0] =	ssyncadd.remote.s32 $0x1  }
0xbd: {  	_ =	sfence.sel $0xFFFF  }
0xbe: {  	[dreg:$0x0] =	wrdreg $0xFFFFFFFF;
	(pc) =	sbr.abs _section_cstart, $3  }
0xbf: {  	[dreg:$0x1] =	wrdreg $0xFFFFFFFF  }
0xc0: {  	_ =	task.clear_ibuf [dreg:s6], $0x2FFFF;
	_ =	strace $0x9FFFFFFF  }
0xc1: {  	(tm) =	ssettm $0x7FFFFFFF  }
tec
execute0_lowered:
.L_overlay_start_1:
0x0: {  	(tag) =	ssettag $0x1  }
0x1: {  	s1 =	srdreg.scid  }
0x2: {  	s0 =	stileid.u32;
	s1 =	sand.u32 $0x1, s1  }
0x3: {  	s2 =	sshll.u32 s0, $0xC;
	s3 =	sshll.u32 s1, $0xB  }
0x4: {  	s4 =	rddreg [dreg:$0x0];
	s3 =	sor.u32 s3, s2;
	s2 =	simm.s32 $0x0  }
0x5: {  	s17 =	simm.s32 $0x2000;
	[smem:$0x7FF] =	sst s2  }
0x6: {  	s18 =	simm.s32 $0x100;
	_ =	strace $0x8000004A;
	[dreg:$0x4] =	wrdreg s17  }
0x7: {  	s19 =	simm.s32 $0x3800;
	[dreg:$0x5] =	wrdreg s18  }
0x8: {  	s20 =	simm.s32 $0x180;
	s21 =	simm.s32 $0x5000;
	[dreg:$0x6] =	wrdreg s19  }
0x9: {  	s5 =	sshrl.u32 s3, $0x3;
	s3 =	smul.u32 $0x6, s3;
	[dreg:$0x7] =	wrdreg s20  }
0xa: {  	s6 =	simm.s32 $0x200;
	s5 =	sadd.s32 s5, s4;
	[dreg:$0x8] =	wrdreg s21  }
0xb: {  	[dreg:$0x9] =	wrdreg s6;
	s3 =	sadd.s32 s3, s4;
	s5 =	sadd.s32 $0x44E00, s5  }
0xc: {  	[dreg:$0x2] =	wrdreg s5;
	s3 =	sadd.s32 $0x46E00, s3  }
0xd: {  	[dreg:$0x3] =	wrdreg s3  }
0xe: {  	s5 =	rddreg [dreg:$0x2];
	s3 =	simm.s32 $0x2  }
0xf: {  	[tilespmem:s2], [sflag:$0x2] =	stream.linear.gather [hbm4b:s5+s2], $0x800, $0x38;
	[tilespmem:$0x18800] =	vst v63  }
0x10: {  	_ =	swait.ge [sflag:s3], $0x800  }
0x11: {  	s6 =	simm.s32 $0x800;
	[sflag:s3] =	ssyncset.done $0x0  }
0x12: {  	s4 =	sadd.s32 $0x4E00, s4;
	s5 =	simm.s32 $0x80;
	[sflag:s3] =	ssyncadd.s32 $0xFFFFF800  }
0x13: {  	[tilespmem:s6], [sflag:$0x1] =	stream.indirect.gather [hbm4b:s4+s5], $0x30, s2, s5, $0xb8;
	[tilespmem:$0x18800] =	vst v63  }
0x14: {  	s7 =	simm.s32 $0x1;
	s8 =	rddreg [dreg:$0x4]  }
0x15: {  	[tilespmem:s8], [sflag:$0x1] =	stream.indirect.gather [hbm4b:s4+s5], $0x30, s5, s5, $0xb8;
	[tilespmem:$0x18800] =	vst v63  }
0x16: {  	_ =	swait.ge [sflag:s7], $0x1800  }
0x17: {  	s22 =	rddreg [dreg:$0x5];
	[sflag:s7] =	ssyncset.done $0x0  }
0x18: {  	s9 =	rddreg [dreg:$0x6];
	[sflag:s7] =	ssyncadd.s32 $0xFFFFE800  }
0x19: {  	[tilespmem:s9], [sflag:$0x1] =	stream.indirect.gather [hbm4b:s4+s5], $0x30, s22, s5, $0xb8;
	[tilespmem:$0x18800] =	vst v63  }
0x1a: {  	_ =	swait.ge [sflag:s7], $0x1800  }
0x1b: {  	s23 =	rddreg [dreg:$0x7];
	[sflag:s7] =	ssyncset.done $0x0  }
0x1c: {  	s24 =	rddreg [dreg:$0x8];
	[sflag:s7] =	ssyncadd.s32 $0xFFFFE800  }
0x1d: {  	[tilespmem:s24], [sflag:$0x1] =	stream.indirect.gather [hbm4b:s4+s5], $0x30, s23, s5, $0xb8;
	[tilespmem:$0x18800] =	vst v63  }
0x1e: {  	_ =	swait.ge [sflag:s7], $0x1800  }
0x1f: {  	[sflag:s7] =	ssyncset.done $0x0  }
0x20: {  	s26 =	simm.s32 $0x6800;
	s25 =	rddreg [dreg:$0x9];
	[sflag:s7] =	ssyncadd.s32 $0xFFFFE800  }
0x21: {  	[tilespmem:s26], [sflag:$0x1] =	stream.indirect.gather [hbm4b:s4+s5], $0x30, s25, s5, $0xb8;
	[tilespmem:$0x18800] =	vst v63  }
0x22: {  	_ =	swait.ge [sflag:s7], $0x1800  }
0x23: {  	[sflag:s7] =	ssyncset.done $0x0  }
0x24: {  	s10 =	simm.s32 $0x8000;
	s9 =	simm.s32 $0x280;
	[sflag:s7] =	ssyncadd.s32 $0xFFFFE800  }
0x25: {  	[tilespmem:s10], [sflag:$0x1] =	stream.indirect.gather [hbm4b:s4+s5], $0x30, s9, s5, $0xb8;
	[tilespmem:$0x18800] =	vst v63  }
0x26: {  	_ =	swait.ge [sflag:s7], $0x1800  }
0x27: {  	[sflag:s7] =	ssyncset.done $0x0  }
0x28: {  	s11 =	simm.s32 $0x300;
	s12 =	simm.s32 $0x9800;
	[sflag:s7] =	ssyncadd.s32 $0xFFFFE800  }
0x29: {  	[tilespmem:s12], [sflag:$0x1] =	stream.indirect.gather [hbm4b:s4+s5], $0x30, s11, s5, $0xb8;
	[tilespmem:$0x18800] =	vst v63  }
0x2a: {  	_ =	swait.ge [sflag:s7], $0x1800  }
0x2b: {  	[sflag:s7] =	ssyncset.done $0x0  }
0x2c: {  	s13 =	simm.s32 $0x380;
	s14 =	simm.s32 $0xB000;
	[sflag:s7] =	ssyncadd.s32 $0xFFFFE800  }
0x2d: {  	[tilespmem:s14], [sflag:$0x1] =	stream.indirect.gather [hbm4b:s4+s5], $0x30, s13, s5, $0xb8;
	[tilespmem:$0x18800] =	vst v63  }
0x2e: {  	_ =	swait.ge [sflag:s7], $0x1800  }
0x2f: {  	[sflag:s7] =	ssyncset.done $0x0  }
0x30: {  	s15 =	simm.s32 $0x400;
	s16 =	simm.s32 $0xC800;
	[sflag:s7] =	ssyncadd.s32 $0xFFFFE800  }
0x31: {  	[tilespmem:s16], [sflag:$0x1] =	stream.indirect.gather [hbm4b:s4+s5], $0x30, s15, s5, $0xb8;
	[tilespmem:$0x18800] =	vst v63  }
0x32: {  	_ =	swait.ge [sflag:s7], $0x1800  }
0x33: {  	[sflag:s7] =	ssyncset.done $0x0  }
0x34: {  	s17 =	simm.s32 $0x480;
	s18 =	simm.s32 $0xE000;
	[sflag:s7] =	ssyncadd.s32 $0xFFFFE800  }
0x35: {  	[tilespmem:s18], [sflag:$0x1] =	stream.indirect.gather [hbm4b:s4+s5], $0x30, s17, s5, $0xb8;
	[tilespmem:$0x18800] =	vst v63  }
0x36: {  	_ =	swait.ge [sflag:s7], $0x1800  }
0x37: {  	[sflag:s7] =	ssyncset.done $0x0  }
0x38: {  	s19 =	simm.s32 $0x500;
	s20 =	simm.s32 $0xF800;
	[sflag:s7] =	ssyncadd.s32 $0xFFFFE800  }
0x39: {  	[tilespmem:s20], [sflag:$0x1] =	stream.indirect.gather [hbm4b:s4+s5], $0x30, s19, s5, $0xb8;
	[tilespmem:$0x18800] =	vst v63  }
0x3a: {  	_ =	swait.ge [sflag:s7], $0x1800  }
0x3b: {  	[sflag:s7] =	ssyncset.done $0x0  }
0x3c: {  	s21 =	simm.s32 $0x580;
	s22 =	simm.s32 $0x11000;
	[sflag:s7] =	ssyncadd.s32 $0xFFFFE800  }
0x3d: {  	[tilespmem:s22], [sflag:$0x1] =	stream.indirect.gather [hbm4b:s4+s5], $0x30, s21, s5, $0xb8;
	[tilespmem:$0x18800] =	vst v63  }
0x3e: {  	_ =	swait.ge [sflag:s7], $0x1800  }
0x3f: {  	[sflag:s7] =	ssyncset.done $0x0  }
0x40: {  	s23 =	simm.s32 $0x600;
	s24 =	simm.s32 $0x12800;
	[sflag:s7] =	ssyncadd.s32 $0xFFFFE800  }
0x41: {  	[tilespmem:s24], [sflag:$0x1] =	stream.indirect.gather [hbm4b:s4+s5], $0x30, s23, s5, $0xb8;
	[tilespmem:$0x18800] =	vst v63  }
0x42: {  	_ =	swait.ge [sflag:s7], $0x1800  }
0x43: {  	[sflag:s7] =	ssyncset.done $0x0  }
0x44: {  	s25 =	simm.s32 $0x680;
	s26 =	simm.s32 $0x14000;
	[sflag:s7] =	ssyncadd.s32 $0xFFFFE800  }
0x45: {  	[tilespmem:s26], [sflag:$0x1] =	stream.indirect.gather [hbm4b:s4+s5], $0x30, s25, s5, $0xb8;
	[tilespmem:$0x18800] =	vst v63  }
0x46: {  	_ =	swait.ge [sflag:s7], $0x1800  }
0x47: {  	[sflag:s7] =	ssyncset.done $0x0  }
0x48: {  	s28 =	simm.s32 $0x700;
	s29 =	simm.s32 $0x15800;
	[sflag:s7] =	ssyncadd.s32 $0xFFFFE800  }
0x49: {  	[tilespmem:s29], [sflag:$0x1] =	stream.indirect.gather [hbm4b:s4+s5], $0x30, s28, s5, $0xb8;
	[tilespmem:$0x18800] =	vst v63  }
0x4a: {  	_ =	swait.ge [sflag:s7], $0x1800  }
0x4b: {  	s30 =	simm.s32 $0x780;
	s1 =	ssub.s32 $0x2, s1;
	[sflag:s7] =	ssyncset.done $0x0  }
0x4c: {  	s31 =	simm.s32 $0x17000;
	s0 =	sshrl.u32 s1, $0x1;
	[sflag:s7] =	ssyncadd.s32 $0xFFFFE800  }
0x4d: {  	[tilespmem:s31], [sflag:$0x1] =	stream.indirect.gather [hbm4b:s4+s5], $0x30, s30, s5, $0xb8;
	[tilespmem:$0x18800] =	vst v63  }
0x4e: {  	s0 =	ssub.s32 s1, s0;
	_ =	swait.ge [sflag:s7], $0x1800  }
0x4f: {  	s0 =	smax.u32 s0, $0x1;
	[sflag:s7] =	ssyncset.done $0x0  }
0x50: {  	p0 =	sne.s32 s0, $0x1;
	[sflag:s7] =	ssyncadd.s32 $0xFFFFE800  }
.Ltmp0:
0x51: {  	_ =	swait.ge [sflag:s7], $0x1800;
	(pc) =	sbr.rel @!p0 .LBB2_2-.Ltmp0, $4  }
0x52: {  	[sflag:s7] =	ssyncset.done $0x0  }
0x53: {  	s8 =	rddreg [dreg:$0x3];
	[sflag:s7] =	ssyncadd.s32 $0xFFFFE800  }
0x54: {  	[hbm4b:s8+s2] =	stream.linear.scatter [tilespmem:s6], [sflag:$0x2], $0x18000, $0x38;
	[tilespmem:$0x18800] =	vst v63  }
0x55: {  	s1 =	sadd.s32 $0xFFFFFFFF, s0;
	_ =	swait.ge [sflag:s3], $0x18000  }
.LBB2_1:
0x56: {  	[sflag:s3] =	ssyncset.done $0x0  }
0x57: {  	s0 =	rddreg [dreg:$0x2];
	[sflag:s3] =	ssyncadd.s32 $0xFFFE8000  }
0x58: {  	[tilespmem:s2], [sflag:$0x2] =	stream.linear.gather [hbm4b:s0+s2], $0x800, $0x38;
	[tilespmem:$0x18800] =	vst v63  }
0x59: {  	_ =	swait.ge [sflag:s3], $0x800  }
0x5a: {  	[sflag:s3] =	ssyncset.done $0x0  }
0x5b: {  	[sflag:s3] =	ssyncadd.s32 $0xFFFFF800  }
0x5c: {  	[tilespmem:s6], [sflag:$0x1] =	stream.indirect.gather [hbm4b:s4+s5], $0x30, s2, s5, $0xb8;
	[tilespmem:$0x18800] =	vst v63  }
0x5d: {  	s8 =	rddreg [dreg:$0x4]  }
0x5e: {  	[tilespmem:s8], [sflag:$0x1] =	stream.indirect.gather [hbm4b:s4+s5], $0x30, s5, s5, $0xb8;
	[tilespmem:$0x18800] =	vst v63  }
0x5f: {  	_ =	swait.ge [sflag:s7], $0x1800  }
0x60: {  	s0 =	rddreg [dreg:$0x5];
	[sflag:s7] =	ssyncset.done $0x0  }
0x61: {  	s8 =	rddreg [dreg:$0x6];
	[sflag:s7] =	ssyncadd.s32 $0xFFFFE800  }
0x62: {  	[tilespmem:s8], [sflag:$0x1] =	stream.indirect.gather [hbm4b:s4+s5], $0x30, s0, s5, $0xb8;
	[tilespmem:$0x18800] =	vst v63  }
0x63: {  	_ =	swait.ge [sflag:s7], $0x1800  }
0x64: {  	[sflag:s7] =	ssyncset.done $0x0;
	s0 =	rddreg [dreg:$0x7]  }
0x65: {  	s8 =	rddreg [dreg:$0x8];
	[sflag:s7] =	ssyncadd.s32 $0xFFFFE800  }
0x66: {  	[tilespmem:s8], [sflag:$0x1] =	stream.indirect.gather [hbm4b:s4+s5], $0x30, s0, s5, $0xb8;
	[tilespmem:$0x18800] =	vst v63  }
0x67: {  	_ =	swait.ge [sflag:s7], $0x1800  }
0x68: {  	[sflag:s7] =	ssyncset.done $0x0  }
0x69: {  	s8 =	simm.s32 $0x6800;
	s0 =	rddreg [dreg:$0x9];
	[sflag:s7] =	ssyncadd.s32 $0xFFFFE800  }
0x6a: {  	[tilespmem:s8], [sflag:$0x1] =	stream.indirect.gather [hbm4b:s4+s5], $0x30, s0, s5, $0xb8;
	[tilespmem:$0x18800] =	vst v63  }
0x6b: {  	_ =	swait.ge [sflag:s7], $0x1800  }
0x6c: {  	[sflag:s7] =	ssyncset.done $0x0  }
0x6d: {  	[sflag:s7] =	ssyncadd.s32 $0xFFFFE800  }
0x6e: {  	[tilespmem:s10], [sflag:$0x1] =	stream.indirect.gather [hbm4b:s4+s5], $0x30, s9, s5, $0xb8;
	[tilespmem:$0x18800] =	vst v63  }
0x6f: {  	_ =	swait.ge [sflag:s7], $0x1800  }
0x70: {  	[sflag:s7] =	ssyncset.done $0x0  }
0x71: {  	[sflag:s7] =	ssyncadd.s32 $0xFFFFE800  }
0x72: {  	[tilespmem:s12], [sflag:$0x1] =	stream.indirect.gather [hbm4b:s4+s5], $0x30, s11, s5, $0xb8;
	[tilespmem:$0x18800] =	vst v63  }
0x73: {  	_ =	swait.ge [sflag:s7], $0x1800  }
0x74: {  	[sflag:s7] =	ssyncset.done $0x0  }
0x75: {  	[sflag:s7] =	ssyncadd.s32 $0xFFFFE800  }
0x76: {  	[tilespmem:s14], [sflag:$0x1] =	stream.indirect.gather [hbm4b:s4+s5], $0x30, s13, s5, $0xb8;
	[tilespmem:$0x18800] =	vst v63  }
0x77: {  	_ =	swait.ge [sflag:s7], $0x1800  }
0x78: {  	[sflag:s7] =	ssyncset.done $0x0  }
0x79: {  	[sflag:s7] =	ssyncadd.s32 $0xFFFFE800  }
0x7a: {  	[tilespmem:s16], [sflag:$0x1] =	stream.indirect.gather [hbm4b:s4+s5], $0x30, s15, s5, $0xb8;
	[tilespmem:$0x18800] =	vst v63  }
0x7b: {  	_ =	swait.ge [sflag:s7], $0x1800  }
0x7c: {  	[sflag:s7] =	ssyncset.done $0x0  }
0x7d: {  	[sflag:s7] =	ssyncadd.s32 $0xFFFFE800  }
0x7e: {  	[tilespmem:s18], [sflag:$0x1] =	stream.indirect.gather [hbm4b:s4+s5], $0x30, s17, s5, $0xb8;
	[tilespmem:$0x18800] =	vst v63  }
0x7f: {  	_ =	swait.ge [sflag:s7], $0x1800  }
0x80: {  	[sflag:s7] =	ssyncset.done $0x0  }
0x81: {  	[sflag:s7] =	ssyncadd.s32 $0xFFFFE800  }
0x82: {  	[tilespmem:s20], [sflag:$0x1] =	stream.indirect.gather [hbm4b:s4+s5], $0x30, s19, s5, $0xb8;
	[tilespmem:$0x18800] =	vst v63  }
0x83: {  	_ =	swait.ge [sflag:s7], $0x1800  }
0x84: {  	[sflag:s7] =	ssyncset.done $0x0  }
0x85: {  	[sflag:s7] =	ssyncadd.s32 $0xFFFFE800  }
0x86: {  	[tilespmem:s22], [sflag:$0x1] =	stream.indirect.gather [hbm4b:s4+s5], $0x30, s21, s5, $0xb8;
	[tilespmem:$0x18800] =	vst v63  }
0x87: {  	_ =	swait.ge [sflag:s7], $0x1800  }
0x88: {  	[sflag:s7] =	ssyncset.done $0x0  }
0x89: {  	[sflag:s7] =	ssyncadd.s32 $0xFFFFE800  }
0x8a: {  	[tilespmem:s24], [sflag:$0x1] =	stream.indirect.gather [hbm4b:s4+s5], $0x30, s23, s5, $0xb8;
	[tilespmem:$0x18800] =	vst v63  }
0x8b: {  	_ =	swait.ge [sflag:s7], $0x1800  }
0x8c: {  	[sflag:s7] =	ssyncset.done $0x0  }
0x8d: {  	[sflag:s7] =	ssyncadd.s32 $0xFFFFE800  }
0x8e: {  	[tilespmem:s26], [sflag:$0x1] =	stream.indirect.gather [hbm4b:s4+s5], $0x30, s25, s5, $0xb8;
	[tilespmem:$0x18800] =	vst v63  }
0x8f: {  	_ =	swait.ge [sflag:s7], $0x1800  }
0x90: {  	[sflag:s7] =	ssyncset.done $0x0  }
0x91: {  	[sflag:s7] =	ssyncadd.s32 $0xFFFFE800  }
0x92: {  	[tilespmem:s29], [sflag:$0x1] =	stream.indirect.gather [hbm4b:s4+s5], $0x30, s28, s5, $0xb8;
	[tilespmem:$0x18800] =	vst v63  }
0x93: {  	_ =	swait.ge [sflag:s7], $0x1800  }
0x94: {  	[sflag:s7] =	ssyncset.done $0x0  }
0x95: {  	[sflag:s7] =	ssyncadd.s32 $0xFFFFE800  }
0x96: {  	[tilespmem:s31], [sflag:$0x1] =	stream.indirect.gather [hbm4b:s4+s5], $0x30, s30, s5, $0xb8;
	[tilespmem:$0x18800] =	vst v63  }
0x97: {  	_ =	swait.ge [sflag:s7], $0x1800  }
0x98: {  	[sflag:s7] =	ssyncset.done $0x0  }
0x99: {  	p0 =	sne.s32 s1, $0x1;
	[sflag:s7] =	ssyncadd.s32 $0xFFFFE800  }
.Ltmp1:
0x9a: {  	_ =	swait.ge [sflag:s7], $0x1800;
	(pc) =	sbr.rel @p0 .LBB2_1-.Ltmp1, $4  }
0x9b: {  	[sflag:s7] =	ssyncset.done $0x0  }
0x9c: {  	s8 =	rddreg [dreg:$0x3];
	[sflag:s7] =	ssyncadd.s32 $0xFFFFE800  }
0x9d: {  	[hbm4b:s8+s2] =	stream.linear.scatter [tilespmem:s6], [sflag:$0x2], $0x18000, $0x38;
	[tilespmem:$0x18800] =	vst v63  }
0x9e: {  	s1 =	sadd.s32 $0xFFFFFFFF, s1;
	_ =	swait.ge [sflag:s3], $0x18000  }
.LBB2_2:
0x9f: {  	[sflag:s3] =	ssyncset.done $0x0  }
0xa0: {  	[sflag:s3] =	ssyncadd.s32 $0xFFFE8000  }
0xa1: {  	_ =	sfence.sel $0x180000  }
0xa2: {  	[bflag:$0x0] =	sbarrier.arrive $0xFFFF  }
0xa3: {  	_ =	strace $0x9000004A  }
0xa4: {  	s0 =	stileid.u32;
	[bflag:$0x2] =	sbarrier.arrive $0xFFFF  }
0xa5: {  	p0 =	sne.s32 s0, $0x0;
	s0 =	rddreg [dreg:$0x1]  }
0xa6: {  	s0 =	sadd.s32 @!p0 $0x100000, s0  }
0xa7: {  	[sflag:s0] =	ssyncadd.tile.s32 @!p0 $0x1;
	_ =	shalt  }
.Lfunc_end2:
_tile_overlayer_lowered:
.L_overlay_start_2:
0xa8: {  	(tag) =	ssettag $0x2  }
0xa9: {  	s0 =	rddreg [dreg:$0x0];
	s2 =	stileid.u32  }
0xaa: {  	s1 =	rddreg [dreg:$0x1];
	p0 =	sne.s32 s2, $0x0  }
0xab: {  	s3 =	rddreg [dreg:$0x2];
	[bflag:$0x3] =	sbarrier.arrive $0xFFFF;
	s2 =	simm.s32 @!p0 $0x1C02  }
0xac: {  	[timem:s3], [sflag:s2] =	dma.local @!p0 [hbm:s0], s1  }
0xad: {  	s0 =	simm.s32 @!p0 $0x2  }
0xae: {  	_ =	swait.ge @!p0 [sflag:s0], s1  }
0xaf: {  	s1 =	ssub.s32 @!p0 $0x0, s1;
	[sflag:s0] =	ssyncset.done @!p0 $0x0  }
0xb0: {  	[sflag:s0] =	ssyncadd.s32 @!p0 s1  }
0xb1: {  	[bflag:$0x3] =	sbarrier.arrive $0xFFFF  }
0xb2: {  	_ =	shalt  }

// kernel: kernel.20.cloned.1.call-start
scs
__scs_entry_jumppad:
0x0: {  	(pc) =	sbr.rel $0x88, $3  }
0x1: {  	(tag) =	ssettag $0x0;
	lr =	simm.s32 $0x1  }
0x2: {  	[smem:$0x3F84] =	sst lr;
	_ =	strace $0xD0000000  }
0x3: {  	_ = 	snop  }
0x4: {  	_ = 	snop  }
0x5: {  	_ = 	snop  }
0x6: {  	_ = 	snop  }
0x7: {  	_ = 	snop  }
__scs_overlays_trampoline_lowered:
0x8: {  	[smem:$0x3F93] =	sst s0  }
0x9: {  	[smem:$0x3F94] =	sst s1  }
0xa: {  	[smem:$0x3F95] =	sst s2  }
0xb: {  	[smem:$0x3F96] =	sst s3  }
0xc: {  	[smem:$0x3F97] =	sst s4  }
0xd: {  	[smem:$0x3F98] =	sst s5  }
0xe: {  	[smem:$0x3F99] =	sst s6  }
0xf: {  	[smem:$0x3F9A] =	sst s7  }
0x10: {  	[smem:$0x3F9B] =	sst s8  }
0x11: {  	[smem:$0x3F9C] =	sst s9;
	s0 =	simm.s32 @!p0 $0x0  }
0x12: {  	s1 =	sld [smem:$0x3F82];
	s0 =	simm.s32 @p0 $0x1  }
0x13: {  	[smem:$0x3F9D] =	sst s0;
	s0 =	simm.s32 @!p1 $0x0  }
0x14: {  	s2 =	sld [smem:$0x3F81];
	s0 =	simm.s32 @p1 $0x1  }
0x15: {  	[smem:$0x3F9E] =	sst s0;
	s0 =	simm.s32 @!p2 $0x0  }
0x16: {  	s3 =	sld [smem:$0x3FDB];
	s0 =	simm.s32 @p2 $0x1  }
0x17: {  	s4 =	simm.s32 $0x1BF5;
	[smem:$0x3FA0] =	sst s0  }
0x18: {  	s0 =	sld [smem:$0x3F83];
	_ =	swait.ge [sflag:s4], $0x0  }
0x19: {  	s7 =	sld [smem:$0x3F84]  }
0x1a: {  	s8 =	sadd.s32 $0xFFFFE003, lr  }
0x1b: {  	s9 =	sadd.s32 $0xFFFFFEF7, lr;
	s5 =	simm.s32 $0xFFFFFFFF;
	p2 =	slt.u32 s8, $0xFFFFF086  }
0x1c: {  	p1 =	slt.u32 s9, $0xF7A;
	s5 =	simm.s32 @!p2 $0x0  }
0x1d: {  	s5 =	simm.s32 @p1 $0x1;
	p0 =	seq.s32 s7, s2  }
0x1e: {  	s7 =	smul.u32 @!p0 $0xF7A, s2;
	p2 =	seq.s32 @!p0 s5, $0x0  }
0x1f: {  	s9 =	smul.u32 $0xF7A, s1;
	s8 =	simm.s32 @!p0 $0x1BF5;
	p2 =	por !p2, p0  }
0x20: {  	[sflag:s8] =	ssyncset.s32 @!p0 $0xFFFFF086;
	s6 =	sadd.s32 @!p0 s3, s7;
	s7 =	simm.s32 @!p0 $0x108  }
0x21: {  	s3 =	sadd.s32 s3, s9;
	s6 =	sadd.s32 @!p0 $0x88, s6;
	s7 =	simm.s32 @p2 $0x1082  }
0x22: {  	[simem:s7], [sflag:s8] =	dma.local @!p0 [hbm:s6], $0xF7A  }
0x23: {  	s9 =	sor.u32 $0xD0000000, s2;
	s6 =	simm.s32 $0x108;
	_ =	swait.ge @!p0 [sflag:s8], $0x0  }
0x24: {  	s3 =	sadd.s32 $0x88, s3;
	s6 =	simm.s32 @!p1 $0x1082;
	[sflag:s4] =	ssyncset.s32 $0xFFFFF086  }
0x25: {  	[simem:s6], [sflag:s4] =	dma.local [hbm:s3], $0xF7A  }
0x26: {  	[smem:$0x3F84] =	sst s1;
	(tag) =	ssettag s2;
	_ =	strace s9  }
0x27: {  	s1 =	sld [smem:$0x3F94]  }
0x28: {  	s2 =	sld [smem:$0x3F95]  }
0x29: {  	s4 =	sld [smem:$0x3F97]  }
0x2a: {  	p0 =	seq.s32 s5, $0x0;
	s5 =	sld [smem:$0x3F98]  }
0x2b: {  	s6 =	sld [smem:$0x3F99]  }
0x2c: {  	s7 =	sld [smem:$0x3F9A]  }
0x2d: {  	s3 =	simm.s32 $0x108;
	s8 =	sld [smem:$0x3F9B]  }
0x2e: {  	s3 =	simm.s32 @!p0 $0x1082;
	s9 =	sld [smem:$0x3F9C]  }
0x2f: {  	lr =	sadd.s32 s0, s3;
	s0 =	sld [smem:$0x3F93]  }
0x30: {  	s3 =	sld [smem:$0x3F96]  }
0x31: {  	[smem:$0x3F9F] =	sst s10  }
0x32: {  	s10 =	sld [smem:$0x3F9D];
	_ =	sdelay $0x3  }
0x33: {  	p0 =	seq.s32 s10, $0x1;
	s10 =	sld [smem:$0x3F9F];
	_ =	sdelay $0x3  }
0x34: {  	[smem:$0x3F9F] =	sst s10  }
0x35: {  	s10 =	sld [smem:$0x3F9E];
	_ =	sdelay $0x3  }
0x36: {  	p1 =	seq.s32 s10, $0x1;
	s10 =	sld [smem:$0x3F9F];
	_ =	sdelay $0x3  }
0x37: {  	[smem:$0x3F9F] =	sst s10  }
0x38: {  	s10 =	sld [smem:$0x3FA0]  }
0x39: {  	_ = 	snop;
	(pc) =	sbr.ind lr, $3  }
0x3a: {  	_ = 	snop  }
0x3b: {  	_ = 	snop  }
0x3c: {  	p2 =	seq.s32 s10, $0x1;
	s10 =	sld [smem:$0x3F9F]  }
0x3d: {  	_ =	shalt  }
0x3e: {  	_ =	shalt  }
0x3f: {  	_ =	shalt  }
0x40: {  	_ =	shalt  }
0x41: {  	_ =	shalt  }
0x42: {  	_ =	shalt  }
0x43: {  	_ =	shalt  }
0x44: {  	_ =	shalt  }
0x45: {  	_ =	shalt  }
0x46: {  	_ =	shalt  }
0x47: {  	_ =	shalt  }
0x48: {  	_ =	shalt  }
0x49: {  	_ =	shalt  }
0x4a: {  	_ =	shalt  }
0x4b: {  	_ =	shalt  }
0x4c: {  	_ =	shalt  }
0x4d: {  	_ =	shalt  }
0x4e: {  	_ =	shalt  }
0x4f: {  	_ =	shalt  }
0x50: {  	_ =	shalt  }
0x51: {  	_ =	shalt  }
0x52: {  	_ =	shalt  }
0x53: {  	_ =	shalt  }
0x54: {  	_ =	shalt  }
0x55: {  	_ =	shalt  }
0x56: {  	_ =	shalt  }
0x57: {  	_ =	shalt  }
0x58: {  	_ =	shalt  }
0x59: {  	_ =	shalt  }
0x5a: {  	_ =	shalt  }
0x5b: {  	_ =	shalt  }
0x5c: {  	_ =	shalt  }
0x5d: {  	_ =	shalt  }
0x5e: {  	_ =	shalt  }
0x5f: {  	_ =	shalt  }
0x60: {  	_ =	shalt  }
0x61: {  	_ =	shalt  }
0x62: {  	_ =	shalt  }
0x63: {  	_ =	shalt  }
0x64: {  	_ =	shalt  }
0x65: {  	_ =	shalt  }
0x66: {  	_ =	shalt  }
0x67: {  	_ =	shalt  }
0x68: {  	_ =	shalt  }
0x69: {  	_ =	shalt  }
0x6a: {  	_ =	shalt  }
0x6b: {  	_ =	shalt  }
0x6c: {  	_ =	shalt  }
0x6d: {  	_ =	shalt  }
0x6e: {  	_ =	shalt  }
0x6f: {  	_ =	shalt  }
0x70: {  	_ =	shalt  }
0x71: {  	_ =	shalt  }
0x72: {  	_ =	shalt  }
0x73: {  	_ =	shalt  }
0x74: {  	_ =	shalt  }
0x75: {  	_ =	shalt  }
0x76: {  	_ =	shalt  }
0x77: {  	_ =	shalt  }
0x78: {  	_ =	shalt  }
0x79: {  	_ =	shalt  }
0x7a: {  	_ =	shalt  }
0x7b: {  	_ =	shalt  }
0x7c: {  	_ =	shalt  }
0x7d: {  	_ =	shalt  }
0x7e: {  	_ =	shalt  }
0x7f: {  	_ =	shalt  }
0x80: {  	_ =	shalt  }
0x81: {  	_ =	shalt  }
0x82: {  	_ =	shalt  }
0x83: {  	_ =	shalt  }
0x84: {  	_ =	shalt  }
0x85: {  	_ =	shalt  }
0x86: {  	_ =	shalt  }
0x87: {  	_ =	shalt  }
.Lfunc_end0:
.L_simem_size_0:
called_computation.2_lowered:
.L_overlay_start_0:
0x88: {  	s2 =	sld [smem:$0x3FD9]  }
0x89: {  	s3 =	sld [smem:$0x3FFE];
	_ =	sdelay $0x1  }
0x8a: {  	s1 =	srdreg.scid  }
0x8b: {  	s0 =	sand.u32 $0x1, s1  }
0x8c: {  	s17 =	sshll.u32 s0, $0xA;
	s2 =	sadd.s32 s3, s2  }
0x8d: {  	s2 =	sadd.s32 s2, s17  }
0x8e: {  	[smem:$0x3FAB] =	sst s2  }
0x8f: {  	_ = 	snop  }
0x90: {  	s2 =	sld [smem:$0x3FD0];
	(tm) =	ssettm $0x1  }
0x91: {  	s18 =	sld [smem:$0x3FFB];
	_ =	sdelay $0x3  }
0x92: {  	_ =	strace s18  }
0x93: {  	s3 =	sld [smem:$0x3FFC];
	_ =	sdelay $0x3  }
0x94: {  	_ =	strace s3  }
0x95: {  	s3 =	sld [smem:$0x3FFD];
	_ =	sdelay $0x3  }
0x96: {  	_ =	strace s3  }
0x97: {  	_ =	strace $0x8FFFFFFF  }
0x98: {  	s19 =	sld [smem:$0x3FDB];
	_ =	sdelay $0x1  }
0x99: {  	s4 =	simm.s32 $_scs_section_size  }
0x9a: {  	s5 =	simm.s32 $_size__tile_overlayer_lowered;
	s6 =	simm.s32 $_tile_overlayer_lowered  }
0x9b: {  	s22 =	simm.s32 $0x1BFF;
	s21 =	sshll.u32 s6, $0x1;
	s3 =	sadd.s32 s4, s19  }
0x9c: {  	s7 =	simm.s32 $0x0;
	s20 =	sshll.u32 s5, $0x1;
	s5 =	sadd.s32 s21, s3  }
0x9d: {  	[timem:s7], [sflag:s22] =	dma.local [hbm:s5], s20  }
0x9e: {  	_ =	swait.ge [sflag:s22], s20  }
0x9f: {  	s4 =	ssub.s32 $0x0, s20;
	[sflag:s22] =	ssyncset.done $0x0  }
0xa0: {  	[sflag:s22] =	ssyncadd.s32 s4;
	_ =	sdelay $0x1  }
0xa1: {  	s23 =	simm.s32 $0x1B8B  }
0xa2: {  	_ =	swait.ge [sflag:s23], $0x1  }
0xa3: {  	[sflag:s23] =	ssyncset.done $0x0  }
0xa4: {  	s25 =	simm.s32 $0x1B8E;
	s24 =	sld [smem:$0x3FFE];
	[sflag:s23] =	ssyncadd.s32 $0xFFFFFFFF  }
0xa5: {  	s26 =	simm.s32 $execute0_lowered;
	[smem:$0x3FD2] =	sst s25  }
0xa6: {  	s5 =	sshll.u32 s26, $0x1;
	_ =	strace $0x8000004C;
	[dreg:$0x1] =	wrdreg $0xFFFFFFFF  }
0xa7: {  	s28 =	simm.s32 $_size_execute0_lowered;
	s3 =	sadd.s32 s3, s5;
	[dreg:$0x0] =	wrdreg $0x0  }
0xa8: {  	s5 =	sshll.u32 s28, $0x1;
	[dreg:$0x2] =	wrdreg s3  }
0xa9: {  	[dreg:$0x3] =	wrdreg s5  }
0xaa: {  	[dreg:$0x4] =	wrdreg $0xC0  }
0xab: {  	_ =	task [dreg:s7], $0x5FFFF  }
0xac: {  	[dreg:$0x1] =	wrdreg $0xFFFFFFFF  }
0xad: {  	[dreg:$0x0] =	wrdreg $0x60  }
0xae: {  	[dreg:$0x2] =	wrdreg s24  }
0xaf: {  	[dreg:$0x3] =	wrdreg s2  }
0xb0: {  	[dreg:$0x4] =	wrdreg $0x9  }
0xb1: {  	_ =	task.clear_ibuf [dreg:s7], $0x5FFFF;
	_ =	strace $0x9000004C  }
0xb2: {  	s29 =	simm.s32 $0x9;
	_ =	strace $0x8000004E  }
0xb3: {  	_ =	swait.ge [sflag:s29], $0x1  }
0xb4: {  	[sflag:s29] =	ssyncadd.s32 $0xFFFFFFFF  }
0xb5: {  	_ =	strace $0x9000004E  }
0xb6: {  	_ =	sfence  }
0xb7: {  	s30 =	sld [smem:$0x0];
	_ =	sdelay $0x2  }
0xb8: {  	s31 =	sshll.u32 s1, $0xD;
	s1 =	sshrl.u32 s1, $0x2  }
0xb9: {  	s3 =	sand.u32 $0x4000, s31;
	s1 =	sadd.s32 s1, s30  }
0xba: {  	s0 =	sor.u32 s3, s0;
	s1 =	sshll.u32 s1, $0x11  }
0xbb: {  	s0 =	sor.u32 s1, s0  }
0xbc: {  	s0 =	sadd.s32 $0x8F2B, s0  }
0xbd: {  	[sflag:s0] =	ssyncadd.remote.s32 $0x1  }
0xbe: {  	_ =	sfence.sel $0xFFFF  }
0xbf: {  	[dreg:$0x0] =	wrdreg $0xFFFFFFFF;
	(pc) =	sbr.abs _section_cstart, $3  }
0xc0: {  	[dreg:$0x1] =	wrdreg $0xFFFFFFFF  }
0xc1: {  	_ =	task.clear_ibuf [dreg:s7], $0x2FFFF;
	_ =	strace $0x9FFFFFFF  }
0xc2: {  	(tm) =	ssettm $0x7FFFFFFF  }
0xc3: {  	_ =	shalt  }
tec
execute0_lowered:
.L_overlay_start_1:
0x0: {  	(tag) =	ssettag $0x1  }
0x1: {  	s1 =	srdreg.scid  }
0x2: {  	s14 =	rddreg [dreg:$0x0];
	s0 =	stileid.u32;
	s15 =	sand.u32 $0x1, s1  }
0x3: {  	s3 =	rddreg [dreg:$0x1];
	s4 =	sshll.u32 s0, $0xA;
	s5 =	sshll.u32 s15, $0x9  }
0x4: {  	s2 =	simm.s32 $0x0;
	s1 =	rddreg [dreg:$0x2];
	s16 =	sor.u32 s5, s4  }
0x5: {  	[smem:$0x7FF] =	sst s2;
	s4 =	sshrl.u32 s16, $0x3  }
0x6: {  	_ =	strace $0x8000004D;
	s4 =	sadd.s32 s3, s4;
	s3 =	simm.s32 $0x2  }
0x7: {  	[tilespmem:s2], [sflag:$0x2] =	stream.linear.gather [hbm4b:s4+s2], $0x200, $0x38;
	[tilespmem:$0xA200] =	vst v63  }
0x8: {  	_ =	swait.ge [sflag:s3], $0x200  }
0x9: {  	s6 =	simm.s32 $0x80;
	[sflag:s3] =	ssyncset.done $0x0  }
0xa: {  	s7 =	simm.s32 $0x200;
	s5 =	sadd.s32 $0x4E00, s14;
	[sflag:s3] =	ssyncadd.s32 $0xFFFFFE00  }
0xb: {  	[tilespmem:s7], [sflag:$0x1] =	stream.indirect.gather [hbm4b:s5+s6], $0x50, s2, s6, $0xb8;
	[tilespmem:$0xA200] =	vst v63  }
0xc: {  	s8 =	simm.s32 $0x2A00;
	s9 =	simm.s32 $0x1  }
0xd: {  	[tilespmem:s8], [sflag:$0x1] =	stream.indirect.gather [hbm4b:s5+s6], $0x50, s6, s6, $0xb8;
	[tilespmem:$0xA200] =	vst v63  }
0xe: {  	_ =	swait.ge [sflag:s9], $0x2800  }
0xf: {  	[sflag:s9] =	ssyncset.done $0x0  }
0x10: {  	s10 =	simm.s32 $0x100;
	s11 =	simm.s32 $0x5200;
	[sflag:s9] =	ssyncadd.s32 $0xFFFFD800  }
0x11: {  	[tilespmem:s11], [sflag:$0x1] =	stream.indirect.gather [hbm4b:s5+s6], $0x50, s10, s6, $0xb8;
	[tilespmem:$0xA200] =	vst v63  }
0x12: {  	_ =	swait.ge [sflag:s9], $0x2800  }
0x13: {  	s12 =	simm.s32 $0x180;
	[sflag:s9] =	ssyncset.done $0x0  }
0x14: {  	s13 =	simm.s32 $0x7A00;
	s15 =	ssub.s32 $0x2, s15;
	[sflag:s9] =	ssyncadd.s32 $0xFFFFD800  }
0x15: {  	[tilespmem:s13], [sflag:$0x1] =	stream.indirect.gather [hbm4b:s5+s6], $0x50, s12, s6, $0xb8;
	[tilespmem:$0xA200] =	vst v63  }
0x16: {  	s17 =	sshrl.u32 s15, $0x1;
	_ =	swait.ge [sflag:s9], $0x2800  }
0x17: {  	s15 =	ssub.s32 s15, s17;
	[sflag:s9] =	ssyncset.done $0x0  }
0x18: {  	s16 =	smul.u32 $0xA, s16;
	s15 =	smax.u32 s15, $0x1;
	[sflag:s9] =	ssyncadd.s32 $0xFFFFD800  }
0x19: {  	p0 =	sne.s32 s15, $0x1;
	_ =	swait.ge [sflag:s9], $0x2800  }
.Ltmp0:
0x1a: {  	s14 =	sadd.s32 s16, s14;
	[sflag:s9] =	ssyncset.done $0x0;
	(pc) =	sbr.rel @!p0 .LBB2_2-.Ltmp0, $4  }
0x1b: {  	s14 =	sadd.s32 $0x9E00, s14;
	[sflag:s9] =	ssyncadd.s32 $0xFFFFD800  }
0x1c: {  	[hbm4b:s14+s2] =	stream.linear.scatter [tilespmem:s7], [sflag:$0x2], $0xA000, $0x38;
	[tilespmem:$0xA200] =	vst v63  }
0x1d: {  	_ =	swait.ge [sflag:s3], $0xA000  }
0x1e: {  	s15 =	sadd.s32 $0xFFFFFFFF, s15;
	[sflag:s3] =	ssyncset.done $0x0  }
.LBB2_1:
0x1f: {  	p0 =	sne.s32 s15, $0x1;
	s15 =	sadd.s32 $0xFFFFFFFF, s15;
	[sflag:s3] =	ssyncadd.s32 $0xFFFF6000  }
0x20: {  	[tilespmem:s2], [sflag:$0x2] =	stream.linear.gather [hbm4b:s4+s2], $0x200, $0x38;
	[tilespmem:$0xA200] =	vst v63  }
0x21: {  	_ =	swait.ge [sflag:s3], $0x200  }
0x22: {  	[sflag:s3] =	ssyncset.done $0x0  }
0x23: {  	[sflag:s3] =	ssyncadd.s32 $0xFFFFFE00  }
0x24: {  	[tilespmem:s7], [sflag:$0x1] =	stream.indirect.gather [hbm4b:s5+s6], $0x50, s2, s6, $0xb8;
	[tilespmem:$0xA200] =	vst v63  }
0x25: {  	_ = 	snop  }
0x26: {  	[tilespmem:s8], [sflag:$0x1] =	stream.indirect.gather [hbm4b:s5+s6], $0x50, s6, s6, $0xb8;
	[tilespmem:$0xA200] =	vst v63  }
0x27: {  	_ =	swait.ge [sflag:s9], $0x2800  }
0x28: {  	[sflag:s9] =	ssyncset.done $0x0  }
0x29: {  	[sflag:s9] =	ssyncadd.s32 $0xFFFFD800  }
0x2a: {  	[tilespmem:s11], [sflag:$0x1] =	stream.indirect.gather [hbm4b:s5+s6], $0x50, s10, s6, $0xb8;
	[tilespmem:$0xA200] =	vst v63  }
0x2b: {  	_ =	swait.ge [sflag:s9], $0x2800  }
0x2c: {  	[sflag:s9] =	ssyncset.done $0x0  }
0x2d: {  	[sflag:s9] =	ssyncadd.s32 $0xFFFFD800  }
0x2e: {  	[tilespmem:s13], [sflag:$0x1] =	stream.indirect.gather [hbm4b:s5+s6], $0x50, s12, s6, $0xb8;
	[tilespmem:$0xA200] =	vst v63  }
0x2f: {  	_ =	swait.ge [sflag:s9], $0x2800  }
0x30: {  	[sflag:s9] =	ssyncset.done $0x0  }
0x31: {  	[sflag:s9] =	ssyncadd.s32 $0xFFFFD800  }
0x32: {  	_ =	swait.ge [sflag:s9], $0x2800  }
.Ltmp1:
0x33: {  	[sflag:s9] =	ssyncset.done $0x0;
	(pc) =	sbr.rel @p0 .LBB2_1-.Ltmp1, $4  }
0x34: {  	[sflag:s9] =	ssyncadd.s32 $0xFFFFD800  }
0x35: {  	[hbm4b:s14+s2] =	stream.linear.scatter [tilespmem:s7], [sflag:$0x2], $0xA000, $0x38;
	[tilespmem:$0xA200] =	vst v63  }
0x36: {  	_ =	swait.ge [sflag:s3], $0xA000  }
0x37: {  	[sflag:s3] =	ssyncset.done $0x0  }
.LBB2_2:
0x38: {  	[sflag:s3] =	ssyncadd.s32 $0xFFFF6000  }
0x39: {  	_ =	sfence.sel $0x180000  }
0x3a: {  	[bflag:$0x0] =	sbarrier.arrive $0xFFFF  }
0x3b: {  	p0 =	sne.s32 s0, $0x0;
	_ =	strace $0x9000004D  }
0x3c: {  	s0 =	sadd.s32 @!p0 $0x100000, s1;
	[bflag:$0x2] =	sbarrier.arrive $0xFFFF  }
0x3d: {  	[sflag:s0] =	ssyncadd.tile.s32 @!p0 $0x1;
	_ =	shalt  }
.Lfunc_end2:
_tile_overlayer_lowered:
.L_overlay_start_2:
0x3e: {  	(tag) =	ssettag $0x2  }
0x3f: {  	s0 =	rddreg [dreg:$0x0];
	s2 =	stileid.u32  }
0x40: {  	s1 =	rddreg [dreg:$0x1];
	p0 =	sne.s32 s2, $0x0  }
0x41: {  	s3 =	rddreg [dreg:$0x2];
	[bflag:$0x3] =	sbarrier.arrive $0xFFFF;
	s2 =	simm.s32 @!p0 $0x1C02  }
0x42: {  	[timem:s3], [sflag:s2] =	dma.local @!p0 [hbm:s0], s1  }
0x43: {  	s0 =	simm.s32 @!p0 $0x2  }
0x44: {  	_ =	swait.ge @!p0 [sflag:s0], s1  }
0x45: {  	s1 =	ssub.s32 @!p0 $0x0, s1;
	[sflag:s0] =	ssyncset.done @!p0 $0x0  }
0x46: {  	[sflag:s0] =	ssyncadd.s32 @!p0 s1  }
0x47: {  	[bflag:$0x3] =	sbarrier.arrive $0xFFFF  }
0x48: {  	_ =	shalt  }

</sc_bundles>
